<compile_context>
chip_gen: v7x
topology: tpu7x:2x2x1
jax: 0.10.2.dev20260603
libtpu: 0.0.44.dev20260713+nightly
codegen_flags: <defaults>
</compile_context>

<pallas_src>
import jax
import jax.numpy as jnp
from jax import lax
from jax.experimental import pallas as pl
from jax.experimental.pallas import tpu as pltpu
from jax.experimental.pallas import tpu_sc as plsc

N = 1048576
GRID = 64
C = 64
NUM_CORES = 2
NUM_SUBCORES = 16
NTILES = NUM_CORES * NUM_SUBCORES
CH_GROUPS = 4
W_PER_TILE = 16
PT_GROUPS = NTILES // CH_GROUPS
PTS_PER_TILE = N // PT_GROUPS
P = 256
CHUNKS = PTS_PER_TILE // P
LANES = 16
ROWS_PER_DMA = 128

MASK_HI = -65536


def _halves_f32(v):
    lo = lax.bitcast_convert_type(lax.shift_left(v, 16), jnp.float32)
    hi = lax.bitcast_convert_type(v & MASK_HI, jnp.float32)
    return lo, hi


def _sc_body(x_hbm, y_hbm, tbl_hbm, g_hbm, b_hbm,
             tbl_v, x_v, y_v, out_v, sem):
    wid = lax.axis_index("s") * NUM_CORES + lax.axis_index("c")
    cb = wid & (CH_GROUPS - 1)
    pg = wid >> 2
    tile_base = pg * PTS_PER_TILE
    half = cb & 1

    pltpu.sync_copy(tbl_hbm.at[cb], tbl_v)

    lane_iota = lax.iota(jnp.int32, LANES)

    def chunk_body(ci, _):
        base = tile_base + ci * P
        pltpu.sync_copy(x_hbm.at[pl.ds(base, P)], x_v)
        pltpu.sync_copy(y_hbm.at[pl.ds(base, P)], y_v)

        def group_body(j, _):
            sl = pl.ds(j * LANES, LANES)
            xv = x_v[sl]
            yv = y_v[sl]
            ix = jnp.clip((xv + 1.0) * 0.5 * (GRID - 1), 0.0, float(GRID - 1))
            iy = jnp.clip((yv + 1.0) * 0.5 * (GRID - 1), 0.0, float(GRID - 1))
            x0 = jnp.minimum(ix.astype(jnp.int32), GRID - 2)
            y0 = jnp.minimum(iy.astype(jnp.int32), GRID - 2)
            wxf = ix - x0.astype(jnp.float32)
            wyf = iy - y0.astype(jnp.float32)
            w11 = wxf * wyf
            w01 = wxf - w11
            w10 = wyf - w11
            w00 = (1.0 - wxf) - w10
            r00 = (y0 * GRID + x0) * W_PER_TILE
            r01 = r00 + W_PER_TILE
            r10 = r00 + GRID * W_PER_TILE
            r11 = r10 + W_PER_TILE
            pvec = lane_iota + j * LANES
            for w in range(W_PER_TILE):
                e00, o00 = _halves_f32(plsc.load_gather(tbl_v, [r00 + w]))
                e01, o01 = _halves_f32(plsc.load_gather(tbl_v, [r01 + w]))
                e10, o10 = _halves_f32(plsc.load_gather(tbl_v, [r10 + w]))
                e11, o11 = _halves_f32(plsc.load_gather(tbl_v, [r11 + w]))
                even = w00 * e00 + w01 * e01 + w10 * e10 + w11 * e11
                odd = w00 * o00 + w01 * o01 + w10 * o10 + w11 * o11
                cidx = jnp.full((LANES,), 2 * w, jnp.int32)
                plsc.store_scatter(out_v, [pvec, cidx], even)
                plsc.store_scatter(out_v, [pvec, cidx + 1], odd)
            return _

        lax.fori_loop(0, P // LANES, group_body, None)

        @pl.when(cb < 2)
        def _w_g():
            pltpu.sync_copy(out_v, g_hbm.at[half, pl.ds(base, P)])

        @pl.when(cb >= 2)
        def _w_b():
            pltpu.sync_copy(out_v, b_hbm.at[half, pl.ds(base, P)])

        return _

    lax.fori_loop(0, CHUNKS, chunk_body, None)


@jax.jit
def _sc_call(x, y, tbl4):
    mesh = plsc.VectorSubcoreMesh(
        core_axis_name="c", subcore_axis_name="s",
        num_cores=NUM_CORES, num_subcores=NUM_SUBCORES)
    fn = pl.kernel(
        _sc_body,
        out_type=(
            jax.ShapeDtypeStruct((2, N, C // 2), jnp.float32),
            jax.ShapeDtypeStruct((2, N, C // 2), jnp.float32),
        ),
        mesh=mesh,
        compiler_params=pltpu.CompilerParams(needs_layout_passes=False),
        scratch_types=[
            pltpu.VMEM((GRID * GRID * W_PER_TILE,), jnp.int32),
            pltpu.VMEM((P,), jnp.float32),
            pltpu.VMEM((P,), jnp.float32),
            pltpu.VMEM((P, 2 * W_PER_TILE), jnp.float32),
            pltpu.SemaphoreType.DMA,
        ],
    )
    return fn(x, y, tbl4)


def kernel(xy, gamma, beta, layer_idx):
    tab = jnp.concatenate([gamma[layer_idx], beta[layer_idx]], axis=0)
    tabT = tab.reshape(2 * C, GRID * GRID).T.astype(jnp.bfloat16)
    tbl = lax.bitcast_convert_type(
        tabT.reshape(GRID * GRID, C, 2), jnp.int32)
    tbl4 = tbl.reshape(GRID * GRID, CH_GROUPS, W_PER_TILE).transpose(1, 0, 2)
    tbl4 = tbl4.reshape(CH_GROUPS, GRID * GRID * W_PER_TILE)
    x = xy[:, 0]
    y = xy[:, 1]
    g3, b3 = _sc_call(x, y, tbl4)
    g = g3.transpose(1, 0, 2).reshape(N, C)
    b = b3.transpose(1, 0, 2).reshape(N, C)
    return (g, b)

# --- scband reference (transcript-rebuilt; emitter-appended) ---
"""Pipeline reference for scband-cam2-d-17678085390374 (READ-ONLY COPY).

The authoritative reference and input builder live on the scoring server;
editing this copy changes nothing except your own understanding.
"""

import jax, jax.numpy as jnp
import numpy as np

GRID_RES = 64
NUM_LAYERS = 4
HIDDEN = 64
N = 1048576


def _grid_sample_bilinear(img, x, y):
    # img: [C, H, W]; x, y: [N] normalized coords in [-1, 1]
    # Matches torch F.grid_sample(mode='bilinear', padding_mode='border', align_corners=True)
    C, H, W = img.shape
    ix = jnp.clip((x + 1.0) * 0.5 * (W - 1), 0.0, float(W - 1))
    iy = jnp.clip((y + 1.0) * 0.5 * (H - 1), 0.0, float(H - 1))
    x0 = jnp.floor(ix)
    y0 = jnp.floor(iy)
    wx1 = ix - x0
    wy1 = iy - y0
    x0i = jnp.clip(x0.astype(jnp.int32), 0, W - 1)
    x1i = jnp.clip(x0i + 1, 0, W - 1)
    y0i = jnp.clip(y0.astype(jnp.int32), 0, H - 1)
    y1i = jnp.clip(y0i + 1, 0, H - 1)
    v00 = img[:, y0i, x0i]
    v01 = img[:, y0i, x1i]
    v10 = img[:, y1i, x0i]
    v11 = img[:, y1i, x1i]
    wx1 = wx1[None, :]
    wy1 = wy1[None, :]
    out = (v00 * (1.0 - wy1) * (1.0 - wx1)
           + v01 * (1.0 - wy1) * wx1
           + v10 * wy1 * (1.0 - wx1)
           + v11 * wy1 * wx1)
    return out.T  # [N, C]


def setup_inputs(seed: int = 0) -> dict:
    key = jax.random.key(seed)
    k1, k2, k3 = jax.random.split(key, 3)
    xy = jax.random.uniform(k1, (N, 2), dtype=jnp.float32, minval=-1.0, maxval=1.0)
    gamma = jax.random.normal(k2, (NUM_LAYERS, HIDDEN, GRID_RES, GRID_RES), dtype=jnp.float32)
    beta = jax.random.normal(k3, (NUM_LAYERS, HIDDEN, GRID_RES, GRID_RES), dtype=jnp.float32)
    return {"xy": xy, "gamma": gamma, "beta": beta, "layer_idx": 1}


def reference(xy, gamma, beta, layer_idx):
    # xy: [N, 2] in [-1, 1]; gamma/beta: [L, C, R, R]; layer_idx: python int
    x = xy[:, 0]
    y = xy[:, 1]
    g = _grid_sample_bilinear(gamma[layer_idx], x, y)
    b = _grid_sample_bilinear(beta[layer_idx], x, y)
    return (g, b)

if __name__ == "__main__":
    import jax
    _d = setup_inputs()
    print(jax.jit(kernel)(*tuple(_d.values())))

</pallas_src>

<mosaic_0001>
#map = affine_map<(d0, d1) -> (0)>
#map1 = affine_map<(d0, d1) -> (0, 0)>
#map2 = affine_map<(d0, d1) -> (0, 0, 0)>
module attributes {stable_mosaic.version = 14 : i64} {
  func.func @_sc_body(%arg0: i32, %arg1: i32, %arg2: memref<1048576xf32, #tpu.memory_space<hbm>>, %arg3: memref<1048576xf32, #tpu.memory_space<hbm>>, %arg4: memref<4x65536xi32, #tpu.memory_space<hbm>>, %arg5: memref<2x1048576x32xf32, #tpu.memory_space<hbm>>, %arg6: memref<2x1048576x32xf32, #tpu.memory_space<hbm>>, %arg7: memref<65536xi32, #tpu.memory_space<vmem>>, %arg8: memref<256xf32, #tpu.memory_space<vmem>>, %arg9: memref<256xf32, #tpu.memory_space<vmem>>, %arg10: memref<256x32xf32, #tpu.memory_space<vmem>>, %arg11: memref<!tpu.dma_semaphore, #tpu.memory_space<semaphore_mem>>) attributes {dimension_semantics = [#tpu.dimension_semantics<core_parallel>, #tpu.dimension_semantics<subcore_parallel>], iteration_bounds = array<i64: 2, 16>, scalar_prefetch = 0 : i64, scratch_operands = 5 : i64, tpu.core_type = #tpu.core_type<sc_vector_subcore>, window_params = [{transform_indices = #map}, {transform_indices = #map}, {transform_indices = #map1}, {transform_indices = #map2}, {transform_indices = #map2}]} {
    %mul3A = arith.constant 2 : i32
    %mul3A_0 = arith.muli %arg1, %mul3A : i32
    %add3A = arith.addi %mul3A_0, %arg0 : i32
    %and3A = arith.constant 3 : i32
    %and3A_1 = arith.andi %add3A, %and3A : i32
    %shift_right_arithmetic3A = arith.constant 2 : i32
    %shift_right_arithmetic3A_2 = arith.shrsi %add3A, %shift_right_arithmetic3A : i32
    %mul3A_3 = arith.constant 131072 : i32
    %mul3A_4 = arith.muli %shift_right_arithmetic3A_2, %mul3A_3 : i32
    %and3A_5 = arith.constant 1 : i32
    %and3A_6 = arith.andi %and3A_1, %and3A_5 : i32
    "tpu.region"() ({
      %run_scoped3A = tpu.sem_alloc : memref<!tpu.dma_semaphore, #tpu.memory_space<semaphore_mem>>
      %dma_start3A = arith.constant 0 : i32
      %dma_start3A_11 = tpu.memref_slice %arg4[%and3A_1, %dma_start3A] : memref<4x65536xi32, #tpu.memory_space<hbm>> -> memref<1x65536xi32, #tpu.memory_space<hbm>>
      %dma_start3A_12 = tpu.memref_squeeze %dma_start3A_11 : memref<1x65536xi32, #tpu.memory_space<hbm>> -> memref<65536xi32, #tpu.memory_space<hbm>>
      %dma_start3A_13 = arith.constant 0 : i32
      %dma_start3A_14 = tpu.memref_slice %arg4[%and3A_1, %dma_start3A_13] : memref<4x65536xi32, #tpu.memory_space<hbm>> -> memref<1x65536xi32, #tpu.memory_space<hbm>>
      %dma_start3A_15 = tpu.memref_squeeze %dma_start3A_14 : memref<1x65536xi32, #tpu.memory_space<hbm>> -> memref<65536xi32, #tpu.memory_space<hbm>>
      tpu.enqueue_dma source(%dma_start3A_15 : memref<65536xi32, #tpu.memory_space<hbm>>) target(%arg7 : memref<65536xi32, #tpu.memory_space<vmem>>) target_semaphore(%run_scoped3A : memref<!tpu.dma_semaphore, #tpu.memory_space<semaphore_mem>>)
      %dma_wait3A = arith.constant 0 : i32
      %dma_wait3A_16 = tpu.memref_slice %arg4[%and3A_1, %dma_wait3A] : memref<4x65536xi32, #tpu.memory_space<hbm>> -> memref<1x65536xi32, #tpu.memory_space<hbm>>
      %dma_wait3A_17 = tpu.memref_squeeze %dma_wait3A_16 : memref<1x65536xi32, #tpu.memory_space<hbm>> -> memref<65536xi32, #tpu.memory_space<hbm>>
      %dma_wait3A_18 = arith.constant 0 : i32
      %dma_wait3A_19 = tpu.memref_slice %arg4[%and3A_1, %dma_wait3A_18] : memref<4x65536xi32, #tpu.memory_space<hbm>> -> memref<1x65536xi32, #tpu.memory_space<hbm>>
      %dma_wait3A_20 = tpu.memref_squeeze %dma_wait3A_19 : memref<1x65536xi32, #tpu.memory_space<hbm>> -> memref<65536xi32, #tpu.memory_space<hbm>>
      tpu.wait_dma2 semaphore(%run_scoped3A : memref<!tpu.dma_semaphore, #tpu.memory_space<semaphore_mem>>) src(%dma_wait3A_20 : memref<65536xi32, #tpu.memory_space<hbm>>) dst(%arg7 : memref<65536xi32, #tpu.memory_space<vmem>>)
      tpu.yield
    }) : () -> ()
    %iota3A = tpu.iota {dimensions = array<i32: 0>} : vector<16xi32>
    %scan3A = arith.constant 0 : i32
    %scan3A_7 = arith.constant 512 : i32
    %scan3A_8 = arith.addi %scan3A, %scan3A_7 : i32
    %scan3A_9 = arith.constant 1 : i32
    scf.for %scan3A_11 = %scan3A to %scan3A_8 step %scan3A_9  : i32 {
      %mul3A_12 = arith.constant 256 : i32
      %mul3A_13 = arith.muli %scan3A_11, %mul3A_12 : i32
      %add3A_14 = arith.addi %mul3A_4, %mul3A_13 : i32
      "tpu.region"() ({
        %run_scoped3A = tpu.sem_alloc : memref<!tpu.dma_semaphore, #tpu.memory_space<semaphore_mem>>
        %dma_start3A = tpu.memref_slice %arg2[%add3A_14] : memref<1048576xf32, #tpu.memory_space<hbm>> -> memref<256xf32, #tpu.memory_space<hbm>>
        %dma_start3A_26 = tpu.memref_slice %arg2[%add3A_14] : memref<1048576xf32, #tpu.memory_space<hbm>> -> memref<256xf32, #tpu.memory_space<hbm>>
        tpu.enqueue_dma source(%dma_start3A_26 : memref<256xf32, #tpu.memory_space<hbm>>) target(%arg8 : memref<256xf32, #tpu.memory_space<vmem>>) target_semaphore(%run_scoped3A : memref<!tpu.dma_semaphore, #tpu.memory_space<semaphore_mem>>)
        %dma_wait3A = tpu.memref_slice %arg2[%add3A_14] : memref<1048576xf32, #tpu.memory_space<hbm>> -> memref<256xf32, #tpu.memory_space<hbm>>
        %dma_wait3A_27 = tpu.memref_slice %arg2[%add3A_14] : memref<1048576xf32, #tpu.memory_space<hbm>> -> memref<256xf32, #tpu.memory_space<hbm>>
        tpu.wait_dma2 semaphore(%run_scoped3A : memref<!tpu.dma_semaphore, #tpu.memory_space<semaphore_mem>>) src(%dma_wait3A_27 : memref<256xf32, #tpu.memory_space<hbm>>) dst(%arg8 : memref<256xf32, #tpu.memory_space<vmem>>)
        tpu.yield
      }) : () -> ()
      "tpu.region"() ({
        %run_scoped3A = tpu.sem_alloc : memref<!tpu.dma_semaphore, #tpu.memory_space<semaphore_mem>>
        %dma_start3A = tpu.memref_slice %arg3[%add3A_14] : memref<1048576xf32, #tpu.memory_space<hbm>> -> memref<256xf32, #tpu.memory_space<hbm>>
        %dma_start3A_26 = tpu.memref_slice %arg3[%add3A_14] : memref<1048576xf32, #tpu.memory_space<hbm>> -> memref<256xf32, #tpu.memory_space<hbm>>
        tpu.enqueue_dma source(%dma_start3A_26 : memref<256xf32, #tpu.memory_space<hbm>>) target(%arg9 : memref<256xf32, #tpu.memory_space<vmem>>) target_semaphore(%run_scoped3A : memref<!tpu.dma_semaphore, #tpu.memory_space<semaphore_mem>>)
        %dma_wait3A = tpu.memref_slice %arg3[%add3A_14] : memref<1048576xf32, #tpu.memory_space<hbm>> -> memref<256xf32, #tpu.memory_space<hbm>>
        %dma_wait3A_27 = tpu.memref_slice %arg3[%add3A_14] : memref<1048576xf32, #tpu.memory_space<hbm>> -> memref<256xf32, #tpu.memory_space<hbm>>
        tpu.wait_dma2 semaphore(%run_scoped3A : memref<!tpu.dma_semaphore, #tpu.memory_space<semaphore_mem>>) src(%dma_wait3A_27 : memref<256xf32, #tpu.memory_space<hbm>>) dst(%arg9 : memref<256xf32, #tpu.memory_space<vmem>>)
        tpu.yield
      }) : () -> ()
      %scan3A_15 = arith.constant 0 : i32
      %scan3A_16 = arith.constant 16 : i32
      %scan3A_17 = arith.addi %scan3A_15, %scan3A_16 : i32
      %scan3A_18 = arith.constant 1 : i32
      scf.for %scan3A_26 = %scan3A_15 to %scan3A_17 step %scan3A_18  : i32 {
        %mul3A_27 = arith.constant 16 : i32
        %mul3A_28 = arith.muli %scan3A_26, %mul3A_27 : i32
        %get3A = arith.index_cast %mul3A_28 : i32 to index
        %get3A_29 = tpu.vector_load %arg8[%get3A] {strides = array<i32>} : memref<256xf32, #tpu.memory_space<vmem>>, vector<16xf32>,
        %get3A_30 = arith.index_cast %mul3A_28 : i32 to index
        %get3A_31 = tpu.vector_load %arg9[%get3A_30] {strides = array<i32>} : memref<256xf32, #tpu.memory_space<vmem>>, vector<16xf32>,
        %add3A_32 = arith.constant 1.000000e+00 : f32
        %add3A_33 = vector.broadcast %add3A_32 : f32 to vector<16xf32>
        %add3A_34 = arith.addf %get3A_29, %add3A_33 : vector<16xf32>
        %mul3A_35 = arith.constant 5.000000e-01 : f32
        %mul3A_36 = vector.broadcast %mul3A_35 : f32 to vector<16xf32>
        %mul3A_37 = arith.mulf %add3A_34, %mul3A_36 : vector<16xf32>
        %mul3A_38 = arith.constant 6.300000e+01 : f32
        %mul3A_39 = vector.broadcast %mul3A_38 : f32 to vector<16xf32>
        %mul3A_40 = arith.mulf %mul3A_37, %mul3A_39 : vector<16xf32>
        %jit3A = arith.constant 0.000000e+00 : f32
        %jit3A_41 = arith.constant 6.300000e+01 : f32
        %max3A = vector.broadcast %jit3A : f32 to vector<16xf32>
        %max3A_42 = arith.maximumf %max3A, %mul3A_40 : vector<16xf32>
        %min3A = vector.broadcast %jit3A_41 : f32 to vector<16xf32>
        %min3A_43 = arith.minimumf %min3A, %max3A_42 : vector<16xf32>
        %add3A_44 = arith.constant 1.000000e+00 : f32
        %add3A_45 = vector.broadcast %add3A_44 : f32 to vector<16xf32>
        %add3A_46 = arith.addf %get3A_31, %add3A_45 : vector<16xf32>
        %mul3A_47 = arith.constant 5.000000e-01 : f32
        %mul3A_48 = vector.broadcast %mul3A_47 : f32 to vector<16xf32>
        %mul3A_49 = arith.mulf %add3A_46, %mul3A_48 : vector<16xf32>
        %mul3A_50 = arith.constant 6.300000e+01 : f32
        %mul3A_51 = vector.broadcast %mul3A_50 : f32 to vector<16xf32>
        %mul3A_52 = arith.mulf %mul3A_49, %mul3A_51 : vector<16xf32>
        %jit3A_53 = arith.constant 0.000000e+00 : f32
        %jit3A_54 = arith.constant 6.300000e+01 : f32
        %max3A_55 = vector.broadcast %jit3A_53 : f32 to vector<16xf32>
        %max3A_56 = arith.maximumf %max3A_55, %mul3A_52 : vector<16xf32>
        %min3A_57 = vector.broadcast %jit3A_54 : f32 to vector<16xf32>
        %min3A_58 = arith.minimumf %min3A_57, %max3A_56 : vector<16xf32>
        %convert_element_type3A_59 = arith.fptosi %min3A_43 : vector<16xf32> to vector<16xi32>
        %min3A_60 = arith.constant 62 : i32
        %min3A_61 = vector.broadcast %min3A_60 : i32 to vector<16xi32>
        %min3A_62 = arith.minsi %convert_element_type3A_59, %min3A_61 : vector<16xi32>
        %convert_element_type3A_63 = arith.fptosi %min3A_58 : vector<16xf32> to vector<16xi32>
        %min3A_64 = arith.constant 62 : i32
        %min3A_65 = vector.broadcast %min3A_64 : i32 to vector<16xi32>
        %min3A_66 = arith.minsi %convert_element_type3A_63, %min3A_65 : vector<16xi32>
        %convert_element_type3A_67 = arith.sitofp %min3A_62 : vector<16xi32> to vector<16xf32>
        %sub3A = arith.subf %min3A_43, %convert_element_type3A_67 : vector<16xf32>
        %convert_element_type3A_68 = arith.sitofp %min3A_66 : vector<16xi32> to vector<16xf32>
        %sub3A_69 = arith.subf %min3A_58, %convert_element_type3A_68 : vector<16xf32>
        %mul3A_70 = arith.mulf %sub3A, %sub3A_69 : vector<16xf32>
        %sub3A_71 = arith.subf %sub3A, %mul3A_70 : vector<16xf32>
        %sub3A_72 = arith.subf %sub3A_69, %mul3A_70 : vector<16xf32>
        %sub3A_73 = arith.constant 1.000000e+00 : f32
        %sub3A_74 = vector.broadcast %sub3A_73 : f32 to vector<16xf32>
        %sub3A_75 = arith.subf %sub3A_74, %sub3A : vector<16xf32>
        %sub3A_76 = arith.subf %sub3A_75, %sub3A_72 : vector<16xf32>
        %mul3A_77 = arith.constant 64 : i32
        %mul3A_78 = vector.broadcast %mul3A_77 : i32 to vector<16xi32>
        %mul3A_79 = arith.muli %min3A_66, %mul3A_78 : vector<16xi32>
        %add3A_80 = arith.addi %mul3A_79, %min3A_62 : vector<16xi32>
        %mul3A_81 = arith.constant 16 : i32
        %mul3A_82 = vector.broadcast %mul3A_81 : i32 to vector<16xi32>
        %mul3A_83 = arith.muli %add3A_80, %mul3A_82 : vector<16xi32>
        %add3A_84 = arith.constant 16 : i32
        %add3A_85 = vector.broadcast %add3A_84 : i32 to vector<16xi32>
        %add3A_86 = arith.addi %mul3A_83, %add3A_85 : vector<16xi32>
        %add3A_87 = arith.constant 1024 : i32
        %add3A_88 = vector.broadcast %add3A_87 : i32 to vector<16xi32>
        %add3A_89 = arith.addi %mul3A_83, %add3A_88 : vector<16xi32>
        %add3A_90 = arith.constant 16 : i32
        %add3A_91 = vector.broadcast %add3A_90 : i32 to vector<16xi32>
        %add3A_92 = arith.addi %add3A_89, %add3A_91 : vector<16xi32>
        %mul3A_93 = arith.constant 16 : i32
        %mul3A_94 = arith.muli %scan3A_26, %mul3A_93 : i32
        %add3A_95 = vector.broadcast %mul3A_94 : i32 to vector<16xi32>
        %add3A_96 = arith.addi %iota3A, %add3A_95 : vector<16xi32>
        %add3A_97 = arith.constant 0 : i32
        %add3A_98 = vector.broadcast %add3A_97 : i32 to vector<16xi32>
        %add3A_99 = arith.addi %mul3A_83, %add3A_98 : vector<16xi32>
        %gather3A = tpu.vector_load_idx %arg7[%add3A_99] : memref<65536xi32, #tpu.memory_space<vmem>>[vector<16xi32>], vector<16xi32>,
        %shift_left3A = arith.constant 16 : i32
        %shift_left3A_100 = vector.broadcast %shift_left3A : i32 to vector<16xi32>
        %shift_left3A_101 = arith.shli %gather3A, %shift_left3A_100 : vector<16xi32>
        %bitcast_convert_type3A = tpu.bitcast %shift_left3A_101 : vector<16xi32> -> vector<16xf32>
        %and3A_102 = arith.constant -65536 : i32
        %and3A_103 = vector.broadcast %and3A_102 : i32 to vector<16xi32>
        %and3A_104 = arith.andi %gather3A, %and3A_103 : vector<16xi32>
        %bitcast_convert_type3A_105 = tpu.bitcast %and3A_104 : vector<16xi32> -> vector<16xf32>
        %add3A_106 = arith.constant 0 : i32
        %add3A_107 = vector.broadcast %add3A_106 : i32 to vector<16xi32>
        %add3A_108 = arith.addi %add3A_86, %add3A_107 : vector<16xi32>
        %gather3A_109 = tpu.vector_load_idx %arg7[%add3A_108] : memref<65536xi32, #tpu.memory_space<vmem>>[vector<16xi32>], vector<16xi32>,
        %shift_left3A_110 = arith.constant 16 : i32
        %shift_left3A_111 = vector.broadcast %shift_left3A_110 : i32 to vector<16xi32>
        %shift_left3A_112 = arith.shli %gather3A_109, %shift_left3A_111 : vector<16xi32>
        %bitcast_convert_type3A_113 = tpu.bitcast %shift_left3A_112 : vector<16xi32> -> vector<16xf32>
        %and3A_114 = arith.constant -65536 : i32
        %and3A_115 = vector.broadcast %and3A_114 : i32 to vector<16xi32>
        %and3A_116 = arith.andi %gather3A_109, %and3A_115 : vector<16xi32>
        %bitcast_convert_type3A_117 = tpu.bitcast %and3A_116 : vector<16xi32> -> vector<16xf32>
        %add3A_118 = arith.constant 0 : i32
        %add3A_119 = vector.broadcast %add3A_118 : i32 to vector<16xi32>
        %add3A_120 = arith.addi %add3A_89, %add3A_119 : vector<16xi32>
        %gather3A_121 = tpu.vector_load_idx %arg7[%add3A_120] : memref<65536xi32, #tpu.memory_space<vmem>>[vector<16xi32>], vector<16xi32>,
        %shift_left3A_122 = arith.constant 16 : i32
        %shift_left3A_123 = vector.broadcast %shift_left3A_122 : i32 to vector<16xi32>
        %shift_left3A_124 = arith.shli %gather3A_121, %shift_left3A_123 : vector<16xi32>
        %bitcast_convert_type3A_125 = tpu.bitcast %shift_left3A_124 : vector<16xi32> -> vector<16xf32>
        %and3A_126 = arith.constant -65536 : i32
        %and3A_127 = vector.broadcast %and3A_126 : i32 to vector<16xi32>
        %and3A_128 = arith.andi %gather3A_121, %and3A_127 : vector<16xi32>
        %bitcast_convert_type3A_129 = tpu.bitcast %and3A_128 : vector<16xi32> -> vector<16xf32>
        %add3A_130 = arith.constant 0 : i32
        %add3A_131 = vector.broadcast %add3A_130 : i32 to vector<16xi32>
        %add3A_132 = arith.addi %add3A_92, %add3A_131 : vector<16xi32>
        %gather3A_133 = tpu.vector_load_idx %arg7[%add3A_132] : memref<65536xi32, #tpu.memory_space<vmem>>[vector<16xi32>], vector<16xi32>,
        %shift_left3A_134 = arith.constant 16 : i32
        %shift_left3A_135 = vector.broadcast %shift_left3A_134 : i32 to vector<16xi32>
        %shift_left3A_136 = arith.shli %gather3A_133, %shift_left3A_135 : vector<16xi32>
        %bitcast_convert_type3A_137 = tpu.bitcast %shift_left3A_136 : vector<16xi32> -> vector<16xf32>
        %and3A_138 = arith.constant -65536 : i32
        %and3A_139 = vector.broadcast %and3A_138 : i32 to vector<16xi32>
        %and3A_140 = arith.andi %gather3A_133, %and3A_139 : vector<16xi32>
        %bitcast_convert_type3A_141 = tpu.bitcast %and3A_140 : vector<16xi32> -> vector<16xf32>
        %mul3A_142 = arith.mulf %sub3A_76, %bitcast_convert_type3A : vector<16xf32>
        %mul3A_143 = arith.mulf %sub3A_71, %bitcast_convert_type3A_113 : vector<16xf32>
        %add3A_144 = arith.addf %mul3A_142, %mul3A_143 : vector<16xf32>
        %mul3A_145 = arith.mulf %sub3A_72, %bitcast_convert_type3A_125 : vector<16xf32>
        %add3A_146 = arith.addf %add3A_144, %mul3A_145 : vector<16xf32>
        %mul3A_147 = arith.mulf %mul3A_70, %bitcast_convert_type3A_137 : vector<16xf32>
        %add3A_148 = arith.addf %add3A_146, %mul3A_147 : vector<16xf32>
        %mul3A_149 = arith.mulf %sub3A_76, %bitcast_convert_type3A_105 : vector<16xf32>
        %mul3A_150 = arith.mulf %sub3A_71, %bitcast_convert_type3A_117 : vector<16xf32>
        %add3A_151 = arith.addf %mul3A_149, %mul3A_150 : vector<16xf32>
        %mul3A_152 = arith.mulf %sub3A_72, %bitcast_convert_type3A_129 : vector<16xf32>
        %add3A_153 = arith.addf %add3A_151, %mul3A_152 : vector<16xf32>
        %mul3A_154 = arith.mulf %mul3A_70, %bitcast_convert_type3A_141 : vector<16xf32>
        %add3A_155 = arith.addf %add3A_153, %mul3A_154 : vector<16xf32>
        %broadcast_in_dim3A = arith.constant 0 : i32
        %broadcast_in_dim3A_156 = vector.broadcast %broadcast_in_dim3A : i32 to vector<16xi32>
        tpu.vector_store_idx %arg10[%add3A_96, %broadcast_in_dim3A_156], %add3A_148 : memref<256x32xf32, #tpu.memory_space<vmem>>[vector<16xi32>, vector<16xi32>], vector<16xf32>,
        %add3A_157 = arith.constant 1 : i32
        %add3A_158 = vector.broadcast %add3A_157 : i32 to vector<16xi32>
        %add3A_159 = arith.addi %broadcast_in_dim3A_156, %add3A_158 : vector<16xi32>
        tpu.vector_store_idx %arg10[%add3A_96, %add3A_159], %add3A_155 : memref<256x32xf32, #tpu.memory_space<vmem>>[vector<16xi32>, vector<16xi32>], vector<16xf32>,
        %add3A_160 = arith.constant 1 : i32
        %add3A_161 = vector.broadcast %add3A_160 : i32 to vector<16xi32>
        %add3A_162 = arith.addi %mul3A_83, %add3A_161 : vector<16xi32>
        %gather3A_163 = tpu.vector_load_idx %arg7[%add3A_162] : memref<65536xi32, #tpu.memory_space<vmem>>[vector<16xi32>], vector<16xi32>,
        %shift_left3A_164 = arith.constant 16 : i32
        %shift_left3A_165 = vector.broadcast %shift_left3A_164 : i32 to vector<16xi32>
        %shift_left3A_166 = arith.shli %gather3A_163, %shift_left3A_165 : vector<16xi32>
        %bitcast_convert_type3A_167 = tpu.bitcast %shift_left3A_166 : vector<16xi32> -> vector<16xf32>
        %and3A_168 = arith.constant -65536 : i32
        %and3A_169 = vector.broadcast %and3A_168 : i32 to vector<16xi32>
        %and3A_170 = arith.andi %gather3A_163, %and3A_169 : vector<16xi32>
        %bitcast_convert_type3A_171 = tpu.bitcast %and3A_170 : vector<16xi32> -> vector<16xf32>
        %add3A_172 = arith.constant 1 : i32
        %add3A_173 = vector.broadcast %add3A_172 : i32 to vector<16xi32>
        %add3A_174 = arith.addi %add3A_86, %add3A_173 : vector<16xi32>
        %gather3A_175 = tpu.vector_load_idx %arg7[%add3A_174] : memref<65536xi32, #tpu.memory_space<vmem>>[vector<16xi32>], vector<16xi32>,
        %shift_left3A_176 = arith.constant 16 : i32
        %shift_left3A_177 = vector.broadcast %shift_left3A_176 : i32 to vector<16xi32>
        %shift_left3A_178 = arith.shli %gather3A_175, %shift_left3A_177 : vector<16xi32>
        %bitcast_convert_type3A_179 = tpu.bitcast %shift_left3A_178 : vector<16xi32> -> vector<16xf32>
        %and3A_180 = arith.constant -65536 : i32
        %and3A_181 = vector.broadcast %and3A_180 : i32 to vector<16xi32>
        %and3A_182 = arith.andi %gather3A_175, %and3A_181 : vector<16xi32>
        %bitcast_convert_type3A_183 = tpu.bitcast %and3A_182 : vector<16xi32> -> vector<16xf32>
        %add3A_184 = arith.constant 1 : i32
        %add3A_185 = vector.broadcast %add3A_184 : i32 to vector<16xi32>
        %add3A_186 = arith.addi %add3A_89, %add3A_185 : vector<16xi32>
        %gather3A_187 = tpu.vector_load_idx %arg7[%add3A_186] : memref<65536xi32, #tpu.memory_space<vmem>>[vector<16xi32>], vector<16xi32>,
        %shift_left3A_188 = arith.constant 16 : i32
        %shift_left3A_189 = vector.broadcast %shift_left3A_188 : i32 to vector<16xi32>
        %shift_left3A_190 = arith.shli %gather3A_187, %shift_left3A_189 : vector<16xi32>
        %bitcast_convert_type3A_191 = tpu.bitcast %shift_left3A_190 : vector<16xi32> -> vector<16xf32>
        %and3A_192 = arith.constant -65536 : i32
        %and3A_193 = vector.broadcast %and3A_192 : i32 to vector<16xi32>
        %and3A_194 = arith.andi %gather3A_187, %and3A_193 : vector<16xi32>
        %bitcast_convert_type3A_195 = tpu.bitcast %and3A_194 : vector<16xi32> -> vector<16xf32>
        %add3A_196 = arith.constant 1 : i32
        %add3A_197 = vector.broadcast %add3A_196 : i32 to vector<16xi32>
        %add3A_198 = arith.addi %add3A_92, %add3A_197 : vector<16xi32>
        %gather3A_199 = tpu.vector_load_idx %arg7[%add3A_198] : memref<65536xi32, #tpu.memory_space<vmem>>[vector<16xi32>], vector<16xi32>,
        %shift_left3A_200 = arith.constant 16 : i32
        %shift_left3A_201 = vector.broadcast %shift_left3A_200 : i32 to vector<16xi32>
        %shift_left3A_202 = arith.shli %gather3A_199, %shift_left3A_201 : vector<16xi32>
        %bitcast_convert_type3A_203 = tpu.bitcast %shift_left3A_202 : vector<16xi32> -> vector<16xf32>
        %and3A_204 = arith.constant -65536 : i32
        %and3A_205 = vector.broadcast %and3A_204 : i32 to vector<16xi32>
        %and3A_206 = arith.andi %gather3A_199, %and3A_205 : vector<16xi32>
        %bitcast_convert_type3A_207 = tpu.bitcast %and3A_206 : vector<16xi32> -> vector<16xf32>
        %mul3A_208 = arith.mulf %sub3A_76, %bitcast_convert_type3A_167 : vector<16xf32>
        %mul3A_209 = arith.mulf %sub3A_71, %bitcast_convert_type3A_179 : vector<16xf32>
        %add3A_210 = arith.addf %mul3A_208, %mul3A_209 : vector<16xf32>
        %mul3A_211 = arith.mulf %sub3A_72, %bitcast_convert_type3A_191 : vector<16xf32>
        %add3A_212 = arith.addf %add3A_210, %mul3A_211 : vector<16xf32>
        %mul3A_213 = arith.mulf %mul3A_70, %bitcast_convert_type3A_203 : vector<16xf32>
        %add3A_214 = arith.addf %add3A_212, %mul3A_213 : vector<16xf32>
        %mul3A_215 = arith.mulf %sub3A_76, %bitcast_convert_type3A_171 : vector<16xf32>
        %mul3A_216 = arith.mulf %sub3A_71, %bitcast_convert_type3A_183 : vector<16xf32>
        %add3A_217 = arith.addf %mul3A_215, %mul3A_216 : vector<16xf32>
        %mul3A_218 = arith.mulf %sub3A_72, %bitcast_convert_type3A_195 : vector<16xf32>
        %add3A_219 = arith.addf %add3A_217, %mul3A_218 : vector<16xf32>
        %mul3A_220 = arith.mulf %mul3A_70, %bitcast_convert_type3A_207 : vector<16xf32>
        %add3A_221 = arith.addf %add3A_219, %mul3A_220 : vector<16xf32>
        %broadcast_in_dim3A_222 = arith.constant 2 : i32
        %broadcast_in_dim3A_223 = vector.broadcast %broadcast_in_dim3A_222 : i32 to vector<16xi32>
        tpu.vector_store_idx %arg10[%add3A_96, %broadcast_in_dim3A_223], %add3A_214 : memref<256x32xf32, #tpu.memory_space<vmem>>[vector<16xi32>, vector<16xi32>], vector<16xf32>,
        %add3A_224 = arith.constant 1 : i32
        %add3A_225 = vector.broadcast %add3A_224 : i32 to vector<16xi32>
        %add3A_226 = arith.addi %broadcast_in_dim3A_223, %add3A_225 : vector<16xi32>
        tpu.vector_store_idx %arg10[%add3A_96, %add3A_226], %add3A_221 : memref<256x32xf32, #tpu.memory_space<vmem>>[vector<16xi32>, vector<16xi32>], vector<16xf32>,
        %add3A_227 = arith.constant 2 : i32
        %add3A_228 = vector.broadcast %add3A_227 : i32 to vector<16xi32>
        %add3A_229 = arith.addi %mul3A_83, %add3A_228 : vector<16xi32>
        %gather3A_230 = tpu.vector_load_idx %arg7[%add3A_229] : memref<65536xi32, #tpu.memory_space<vmem>>[vector<16xi32>], vector<16xi32>,
        %shift_left3A_231 = arith.constant 16 : i32
        %shift_left3A_232 = vector.broadcast %shift_left3A_231 : i32 to vector<16xi32>
        %shift_left3A_233 = arith.shli %gather3A_230, %shift_left3A_232 : vector<16xi32>
        %bitcast_convert_type3A_234 = tpu.bitcast %shift_left3A_233 : vector<16xi32> -> vector<16xf32>
        %and3A_235 = arith.constant -65536 : i32
        %and3A_236 = vector.broadcast %and3A_235 : i32 to vector<16xi32>
        %and3A_237 = arith.andi %gather3A_230, %and3A_236 : vector<16xi32>
        %bitcast_convert_type3A_238 = tpu.bitcast %and3A_237 : vector<16xi32> -> vector<16xf32>
        %add3A_239 = arith.constant 2 : i32
        %add3A_240 = vector.broadcast %add3A_239 : i32 to vector<16xi32>
        %add3A_241 = arith.addi %add3A_86, %add3A_240 : vector<16xi32>
        %gather3A_242 = tpu.vector_load_idx %arg7[%add3A_241] : memref<65536xi32, #tpu.memory_space<vmem>>[vector<16xi32>], vector<16xi32>,
        %shift_left3A_243 = arith.constant 16 : i32
        %shift_left3A_244 = vector.broadcast %shift_left3A_243 : i32 to vector<16xi32>
        %shift_left3A_245 = arith.shli %gather3A_242, %shift_left3A_244 : vector<16xi32>
        %bitcast_convert_type3A_246 = tpu.bitcast %shift_left3A_245 : vector<16xi32> -> vector<16xf32>
        %and3A_247 = arith.constant -65536 : i32
        %and3A_248 = vector.broadcast %and3A_247 : i32 to vector<16xi32>
        %and3A_249 = arith.andi %gather3A_242, %and3A_248 : vector<16xi32>
        %bitcast_convert_type3A_250 = tpu.bitcast %and3A_249 : vector<16xi32> -> vector<16xf32>
        %add3A_251 = arith.constant 2 : i32
        %add3A_252 = vector.broadcast %add3A_251 : i32 to vector<16xi32>
        %add3A_253 = arith.addi %add3A_89, %add3A_252 : vector<16xi32>
        %gather3A_254 = tpu.vector_load_idx %arg7[%add3A_253] : memref<65536xi32, #tpu.memory_space<vmem>>[vector<16xi32>], vector<16xi32>,
        %shift_left3A_255 = arith.constant 16 : i32
        %shift_left3A_256 = vector.broadcast %shift_left3A_255 : i32 to vector<16xi32>
        %shift_left3A_257 = arith.shli %gather3A_254, %shift_left3A_256 : vector<16xi32>
        %bitcast_convert_type3A_258 = tpu.bitcast %shift_left3A_257 : vector<16xi32> -> vector<16xf32>
        %and3A_259 = arith.constant -65536 : i32
        %and3A_260 = vector.broadcast %and3A_259 : i32 to vector<16xi32>
        %and3A_261 = arith.andi %gather3A_254, %and3A_260 : vector<16xi32>
        %bitcast_convert_type3A_262 = tpu.bitcast %and3A_261 : vector<16xi32> -> vector<16xf32>
        %add3A_263 = arith.constant 2 : i32
        %add3A_264 = vector.broadcast %add3A_263 : i32 to vector<16xi32>
        %add3A_265 = arith.addi %add3A_92, %add3A_264 : vector<16xi32>
        %gather3A_266 = tpu.vector_load_idx %arg7[%add3A_265] : memref<65536xi32, #tpu.memory_space<vmem>>[vector<16xi32>], vector<16xi32>,
        %shift_left3A_267 = arith.constant 16 : i32
        %shift_left3A_268 = vector.broadcast %shift_left3A_267 : i32 to vector<16xi32>
        %shift_left3A_269 = arith.shli %gather3A_266, %shift_left3A_268 : vector<16xi32>
        %bitcast_convert_type3A_270 = tpu.bitcast %shift_left3A_269 : vector<16xi32> -> vector<16xf32>
        %and3A_271 = arith.constant -65536 : i32
        %and3A_272 = vector.broadcast %and3A_271 : i32 to vector<16xi32>
        %and3A_273 = arith.andi %gather3A_266, %and3A_272 : vector<16xi32>
        %bitcast_convert_type3A_274 = tpu.bitcast %and3A_273 : vector<16xi32> -> vector<16xf32>
        %mul3A_275 = arith.mulf %sub3A_76, %bitcast_convert_type3A_234 : vector<16xf32>
        %mul3A_276 = arith.mulf %sub3A_71, %bitcast_convert_type3A_246 : vector<16xf32>
        %add3A_277 = arith.addf %mul3A_275, %mul3A_276 : vector<16xf32>
        %mul3A_278 = arith.mulf %sub3A_72, %bitcast_convert_type3A_258 : vector<16xf32>
        %add3A_279 = arith.addf %add3A_277, %mul3A_278 : vector<16xf32>
        %mul3A_280 = arith.mulf %mul3A_70, %bitcast_convert_type3A_270 : vector<16xf32>
        %add3A_281 = arith.addf %add3A_279, %mul3A_280 : vector<16xf32>
        %mul3A_282 = arith.mulf %sub3A_76, %bitcast_convert_type3A_238 : vector<16xf32>
        %mul3A_283 = arith.mulf %sub3A_71, %bitcast_convert_type3A_250 : vector<16xf32>
        %add3A_284 = arith.addf %mul3A_282, %mul3A_283 : vector<16xf32>
        %mul3A_285 = arith.mulf %sub3A_72, %bitcast_convert_type3A_262 : vector<16xf32>
        %add3A_286 = arith.addf %add3A_284, %mul3A_285 : vector<16xf32>
        %mul3A_287 = arith.mulf %mul3A_70, %bitcast_convert_type3A_274 : vector<16xf32>
        %add3A_288 = arith.addf %add3A_286, %mul3A_287 : vector<16xf32>
        %broadcast_in_dim3A_289 = arith.constant 4 : i32
        %broadcast_in_dim3A_290 = vector.broadcast %broadcast_in_dim3A_289 : i32 to vector<16xi32>
        tpu.vector_store_idx %arg10[%add3A_96, %broadcast_in_dim3A_290], %add3A_281 : memref<256x32xf32, #tpu.memory_space<vmem>>[vector<16xi32>, vector<16xi32>], vector<16xf32>,
        %add3A_291 = arith.constant 1 : i32
        %add3A_292 = vector.broadcast %add3A_291 : i32 to vector<16xi32>
        %add3A_293 = arith.addi %broadcast_in_dim3A_290, %add3A_292 : vector<16xi32>
        tpu.vector_store_idx %arg10[%add3A_96, %add3A_293], %add3A_288 : memref<256x32xf32, #tpu.memory_space<vmem>>[vector<16xi32>, vector<16xi32>], vector<16xf32>,
        %add3A_294 = arith.constant 3 : i32
        %add3A_295 = vector.broadcast %add3A_294 : i32 to vector<16xi32>
        %add3A_296 = arith.addi %mul3A_83, %add3A_295 : vector<16xi32>
        %gather3A_297 = tpu.vector_load_idx %arg7[%add3A_296] : memref<65536xi32, #tpu.memory_space<vmem>>[vector<16xi32>], vector<16xi32>,
        %shift_left3A_298 = arith.constant 16 : i32
        %shift_left3A_299 = vector.broadcast %shift_left3A_298 : i32 to vector<16xi32>
        %shift_left3A_300 = arith.shli %gather3A_297, %shift_left3A_299 : vector<16xi32>
        %bitcast_convert_type3A_301 = tpu.bitcast %shift_left3A_300 : vector<16xi32> -> vector<16xf32>
        %and3A_302 = arith.constant -65536 : i32
        %and3A_303 = vector.broadcast %and3A_302 : i32 to vector<16xi32>
        %and3A_304 = arith.andi %gather3A_297, %and3A_303 : vector<16xi32>
        %bitcast_convert_type3A_305 = tpu.bitcast %and3A_304 : vector<16xi32> -> vector<16xf32>
        %add3A_306 = arith.constant 3 : i32
        %add3A_307 = vector.broadcast %add3A_306 : i32 to vector<16xi32>
        %add3A_308 = arith.addi %add3A_86, %add3A_307 : vector<16xi32>
        %gather3A_309 = tpu.vector_load_idx %arg7[%add3A_308] : memref<65536xi32, #tpu.memory_space<vmem>>[vector<16xi32>], vector<16xi32>,
        %shift_left3A_310 = arith.constant 16 : i32
        %shift_left3A_311 = vector.broadcast %shift_left3A_310 : i32 to vector<16xi32>
        %shift_left3A_312 = arith.shli %gather3A_309, %shift_left3A_311 : vector<16xi32>
        %bitcast_convert_type3A_313 = tpu.bitcast %shift_left3A_312 : vector<16xi32> -> vector<16xf32>
        %and3A_314 = arith.constant -65536 : i32
        %and3A_315 = vector.broadcast %and3A_314 : i32 to vector<16xi32>
        %and3A_316 = arith.andi %gather3A_309, %and3A_315 : vector<16xi32>
        %bitcast_convert_type3A_317 = tpu.bitcast %and3A_316 : vector<16xi32> -> vector<16xf32>
        %add3A_318 = arith.constant 3 : i32
        %add3A_319 = vector.broadcast %add3A_318 : i32 to vector<16xi32>
        %add3A_320 = arith.addi %add3A_89, %add3A_319 : vector<16xi32>
        %gather3A_321 = tpu.vector_load_idx %arg7[%add3A_320] : memref<65536xi32, #tpu.memory_space<vmem>>[vector<16xi32>], vector<16xi32>,
        %shift_left3A_322 = arith.constant 16 : i32
        %shift_left3A_323 = vector.broadcast %shift_left3A_322 : i32 to vector<16xi32>
        %shift_left3A_324 = arith.shli %gather3A_321, %shift_left3A_323 : vector<16xi32>
        %bitcast_convert_type3A_325 = tpu.bitcast %shift_left3A_324 : vector<16xi32> -> vector<16xf32>
        %and3A_326 = arith.constant -65536 : i32
        %and3A_327 = vector.broadcast %and3A_326 : i32 to vector<16xi32>
        %and3A_328 = arith.andi %gather3A_321, %and3A_327 : vector<16xi32>
        %bitcast_convert_type3A_329 = tpu.bitcast %and3A_328 : vector<16xi32> -> vector<16xf32>
        %add3A_330 = arith.constant 3 : i32
        %add3A_331 = vector.broadcast %add3A_330 : i32 to vector<16xi32>
        %add3A_332 = arith.addi %add3A_92, %add3A_331 : vector<16xi32>
        %gather3A_333 = tpu.vector_load_idx %arg7[%add3A_332] : memref<65536xi32, #tpu.memory_space<vmem>>[vector<16xi32>], vector<16xi32>,
        %shift_left3A_334 = arith.constant 16 : i32
        %shift_left3A_335 = vector.broadcast %shift_left3A_334 : i32 to vector<16xi32>
        %shift_left3A_336 = arith.shli %gather3A_333, %shift_left3A_335 : vector<16xi32>
        %bitcast_convert_type3A_337 = tpu.bitcast %shift_left3A_336 : vector<16xi32> -> vector<16xf32>
        %and3A_338 = arith.constant -65536 : i32
        %and3A_339 = vector.broadcast %and3A_338 : i32 to vector<16xi32>
        %and3A_340 = arith.andi %gather3A_333, %and3A_339 : vector<16xi32>
        %bitcast_convert_type3A_341 = tpu.bitcast %and3A_340 : vector<16xi32> -> vector<16xf32>
        %mul3A_342 = arith.mulf %sub3A_76, %bitcast_convert_type3A_301 : vector<16xf32>
        %mul3A_343 = arith.mulf %sub3A_71, %bitcast_convert_type3A_313 : vector<16xf32>
        %add3A_344 = arith.addf %mul3A_342, %mul3A_343 : vector<16xf32>
        %mul3A_345 = arith.mulf %sub3A_72, %bitcast_convert_type3A_325 : vector<16xf32>
        %add3A_346 = arith.addf %add3A_344, %mul3A_345 : vector<16xf32>
        %mul3A_347 = arith.mulf %mul3A_70, %bitcast_convert_type3A_337 : vector<16xf32>
        %add3A_348 = arith.addf %add3A_346, %mul3A_347 : vector<16xf32>
        %mul3A_349 = arith.mulf %sub3A_76, %bitcast_convert_type3A_305 : vector<16xf32>
        %mul3A_350 = arith.mulf %sub3A_71, %bitcast_convert_type3A_317 : vector<16xf32>
        %add3A_351 = arith.addf %mul3A_349, %mul3A_350 : vector<16xf32>
        %mul3A_352 = arith.mulf %sub3A_72, %bitcast_convert_type3A_329 : vector<16xf32>
        %add3A_353 = arith.addf %add3A_351, %mul3A_352 : vector<16xf32>
        %mul3A_354 = arith.mulf %mul3A_70, %bitcast_convert_type3A_341 : vector<16xf32>
        %add3A_355 = arith.addf %add3A_353, %mul3A_354 : vector<16xf32>
        %broadcast_in_dim3A_356 = arith.constant 6 : i32
        %broadcast_in_dim3A_357 = vector.broadcast %broadcast_in_dim3A_356 : i32 to vector<16xi32>
        tpu.vector_store_idx %arg10[%add3A_96, %broadcast_in_dim3A_357], %add3A_348 : memref<256x32xf32, #tpu.memory_space<vmem>>[vector<16xi32>, vector<16xi32>], vector<16xf32>,
        %add3A_358 = arith.constant 1 : i32
        %add3A_359 = vector.broadcast %add3A_358 : i32 to vector<16xi32>
        %add3A_360 = arith.addi %broadcast_in_dim3A_357, %add3A_359 : vector<16xi32>
        tpu.vector_store_idx %arg10[%add3A_96, %add3A_360], %add3A_355 : memref<256x32xf32, #tpu.memory_space<vmem>>[vector<16xi32>, vector<16xi32>], vector<16xf32>,
        %add3A_361 = arith.constant 4 : i32
        %add3A_362 = vector.broadcast %add3A_361 : i32 to vector<16xi32>
        %add3A_363 = arith.addi %mul3A_83, %add3A_362 : vector<16xi32>
        %gather3A_364 = tpu.vector_load_idx %arg7[%add3A_363] : memref<65536xi32, #tpu.memory_space<vmem>>[vector<16xi32>], vector<16xi32>,
        %shift_left3A_365 = arith.constant 16 : i32
        %shift_left3A_366 = vector.broadcast %shift_left3A_365 : i32 to vector<16xi32>
        %shift_left3A_367 = arith.shli %gather3A_364, %shift_left3A_366 : vector<16xi32>
        %bitcast_convert_type3A_368 = tpu.bitcast %shift_left3A_367 : vector<16xi32> -> vector<16xf32>
        %and3A_369 = arith.constant -65536 : i32
        %and3A_370 = vector.broadcast %and3A_369 : i32 to vector<16xi32>
        %and3A_371 = arith.andi %gather3A_364, %and3A_370 : vector<16xi32>
        %bitcast_convert_type3A_372 = tpu.bitcast %and3A_371 : vector<16xi32> -> vector<16xf32>
        %add3A_373 = arith.constant 4 : i32
        %add3A_374 = vector.broadcast %add3A_373 : i32 to vector<16xi32>
        %add3A_375 = arith.addi %add3A_86, %add3A_374 : vector<16xi32>
        %gather3A_376 = tpu.vector_load_idx %arg7[%add3A_375] : memref<65536xi32, #tpu.memory_space<vmem>>[vector<16xi32>], vector<16xi32>,
        %shift_left3A_377 = arith.constant 16 : i32
        %shift_left3A_378 = vector.broadcast %shift_left3A_377 : i32 to vector<16xi32>
        %shift_left3A_379 = arith.shli %gather3A_376, %shift_left3A_378 : vector<16xi32>
        %bitcast_convert_type3A_380 = tpu.bitcast %shift_left3A_379 : vector<16xi32> -> vector<16xf32>
        %and3A_381 = arith.constant -65536 : i32
        %and3A_382 = vector.broadcast %and3A_381 : i32 to vector<16xi32>
        %and3A_383 = arith.andi %gather3A_376, %and3A_382 : vector<16xi32>
        %bitcast_convert_type3A_384 = tpu.bitcast %and3A_383 : vector<16xi32> -> vector<16xf32>
        %add3A_385 = arith.constant 4 : i32
        %add3A_386 = vector.broadcast %add3A_385 : i32 to vector<16xi32>
        %add3A_387 = arith.addi %add3A_89, %add3A_386 : vector<16xi32>
        %gather3A_388 = tpu.vector_load_idx %arg7[%add3A_387] : memref<65536xi32, #tpu.memory_space<vmem>>[vector<16xi32>], vector<16xi32>,
        %shift_left3A_389 = arith.constant 16 : i32
        %shift_left3A_390 = vector.broadcast %shift_left3A_389 : i32 to vector<16xi32>
        %shift_left3A_391 = arith.shli %gather3A_388, %shift_left3A_390 : vector<16xi32>
        %bitcast_convert_type3A_392 = tpu.bitcast %shift_left3A_391 : vector<16xi32> -> vector<16xf32>
        %and3A_393 = arith.constant -65536 : i32
        %and3A_394 = vector.broadcast %and3A_393 : i32 to vector<16xi32>
        %and3A_395 = arith.andi %gather3A_388, %and3A_394 : vector<16xi32>
        %bitcast_convert_type3A_396 = tpu.bitcast %and3A_395 : vector<16xi32> -> vector<16xf32>
        %add3A_397 = arith.constant 4 : i32
        %add3A_398 = vector.broadcast %add3A_397 : i32 to vector<16xi32>
        %add3A_399 = arith.addi %add3A_92, %add3A_398 : vector<16xi32>
        %gather3A_400 = tpu.vector_load_idx %arg7[%add3A_399] : memref<65536xi32, #tpu.memory_space<vmem>>[vector<16xi32>], vector<16xi32>,
        %shift_left3A_401 = arith.constant 16 : i32
        %shift_left3A_402 = vector.broadcast %shift_left3A_401 : i32 to vector<16xi32>
        %shift_left3A_403 = arith.shli %gather3A_400, %shift_left3A_402 : vector<16xi32>
        %bitcast_convert_type3A_404 = tpu.bitcast %shift_left3A_403 : vector<16xi32> -> vector<16xf32>
        %and3A_405 = arith.constant -65536 : i32
        %and3A_406 = vector.broadcast %and3A_405 : i32 to vector<16xi32>
        %and3A_407 = arith.andi %gather3A_400, %and3A_406 : vector<16xi32>
        %bitcast_convert_type3A_408 = tpu.bitcast %and3A_407 : vector<16xi32> -> vector<16xf32>
        %mul3A_409 = arith.mulf %sub3A_76, %bitcast_convert_type3A_368 : vector<16xf32>
        %mul3A_410 = arith.mulf %sub3A_71, %bitcast_convert_type3A_380 : vector<16xf32>
        %add3A_411 = arith.addf %mul3A_409, %mul3A_410 : vector<16xf32>
        %mul3A_412 = arith.mulf %sub3A_72, %bitcast_convert_type3A_392 : vector<16xf32>
        %add3A_413 = arith.addf %add3A_411, %mul3A_412 : vector<16xf32>
        %mul3A_414 = arith.mulf %mul3A_70, %bitcast_convert_type3A_404 : vector<16xf32>
        %add3A_415 = arith.addf %add3A_413, %mul3A_414 : vector<16xf32>
        %mul3A_416 = arith.mulf %sub3A_76, %bitcast_convert_type3A_372 : vector<16xf32>
        %mul3A_417 = arith.mulf %sub3A_71, %bitcast_convert_type3A_384 : vector<16xf32>
        %add3A_418 = arith.addf %mul3A_416, %mul3A_417 : vector<16xf32>
        %mul3A_419 = arith.mulf %sub3A_72, %bitcast_convert_type3A_396 : vector<16xf32>
        %add3A_420 = arith.addf %add3A_418, %mul3A_419 : vector<16xf32>
        %mul3A_421 = arith.mulf %mul3A_70, %bitcast_convert_type3A_408 : vector<16xf32>
        %add3A_422 = arith.addf %add3A_420, %mul3A_421 : vector<16xf32>
        %broadcast_in_dim3A_423 = arith.constant 8 : i32
        %broadcast_in_dim3A_424 = vector.broadcast %broadcast_in_dim3A_423 : i32 to vector<16xi32>
        tpu.vector_store_idx %arg10[%add3A_96, %broadcast_in_dim3A_424], %add3A_415 : memref<256x32xf32, #tpu.memory_space<vmem>>[vector<16xi32>, vector<16xi32>], vector<16xf32>,
        %add3A_425 = arith.constant 1 : i32
        %add3A_426 = vector.broadcast %add3A_425 : i32 to vector<16xi32>
        %add3A_427 = arith.addi %broadcast_in_dim3A_424, %add3A_426 : vector<16xi32>
        tpu.vector_store_idx %arg10[%add3A_96, %add3A_427], %add3A_422 : memref<256x32xf32, #tpu.memory_space<vmem>>[vector<16xi32>, vector<16xi32>], vector<16xf32>,
        %add3A_428 = arith.constant 5 : i32
        %add3A_429 = vector.broadcast %add3A_428 : i32 to vector<16xi32>
        %add3A_430 = arith.addi %mul3A_83, %add3A_429 : vector<16xi32>
        %gather3A_431 = tpu.vector_load_idx %arg7[%add3A_430] : memref<65536xi32, #tpu.memory_space<vmem>>[vector<16xi32>], vector<16xi32>,
        %shift_left3A_432 = arith.constant 16 : i32
        %shift_left3A_433 = vector.broadcast %shift_left3A_432 : i32 to vector<16xi32>
        %shift_left3A_434 = arith.shli %gather3A_431, %shift_left3A_433 : vector<16xi32>
        %bitcast_convert_type3A_435 = tpu.bitcast %shift_left3A_434 : vector<16xi32> -> vector<16xf32>
        %and3A_436 = arith.constant -65536 : i32
        %and3A_437 = vector.broadcast %and3A_436 : i32 to vector<16xi32>
        %and3A_438 = arith.andi %gather3A_431, %and3A_437 : vector<16xi32>
        %bitcast_convert_type3A_439 = tpu.bitcast %and3A_438 : vector<16xi32> -> vector<16xf32>
        %add3A_440 = arith.constant 5 : i32
        %add3A_441 = vector.broadcast %add3A_440 : i32 to vector<16xi32>
        %add3A_442 = arith.addi %add3A_86, %add3A_441 : vector<16xi32>
        %gather3A_443 = tpu.vector_load_idx %arg7[%add3A_442] : memref<65536xi32, #tpu.memory_space<vmem>>[vector<16xi32>], vector<16xi32>,
        %shift_left3A_444 = arith.constant 16 : i32
        %shift_left3A_445 = vector.broadcast %shift_left3A_444 : i32 to vector<16xi32>
        %shift_left3A_446 = arith.shli %gather3A_443, %shift_left3A_445 : vector<16xi32>
        %bitcast_convert_type3A_447 = tpu.bitcast %shift_left3A_446 : vector<16xi32> -> vector<16xf32>
        %and3A_448 = arith.constant -65536 : i32
        %and3A_449 = vector.broadcast %and3A_448 : i32 to vector<16xi32>
        %and3A_450 = arith.andi %gather3A_443, %and3A_449 : vector<16xi32>
        %bitcast_convert_type3A_451 = tpu.bitcast %and3A_450 : vector<16xi32> -> vector<16xf32>
        %add3A_452 = arith.constant 5 : i32
        %add3A_453 = vector.broadcast %add3A_452 : i32 to vector<16xi32>
        %add3A_454 = arith.addi %add3A_89, %add3A_453 : vector<16xi32>
        %gather3A_455 = tpu.vector_load_idx %arg7[%add3A_454] : memref<65536xi32, #tpu.memory_space<vmem>>[vector<16xi32>], vector<16xi32>,
        %shift_left3A_456 = arith.constant 16 : i32
        %shift_left3A_457 = vector.broadcast %shift_left3A_456 : i32 to vector<16xi32>
        %shift_left3A_458 = arith.shli %gather3A_455, %shift_left3A_457 : vector<16xi32>
        %bitcast_convert_type3A_459 = tpu.bitcast %shift_left3A_458 : vector<16xi32> -> vector<16xf32>
        %and3A_460 = arith.constant -65536 : i32
        %and3A_461 = vector.broadcast %and3A_460 : i32 to vector<16xi32>
        %and3A_462 = arith.andi %gather3A_455, %and3A_461 : vector<16xi32>
        %bitcast_convert_type3A_463 = tpu.bitcast %and3A_462 : vector<16xi32> -> vector<16xf32>
        %add3A_464 = arith.constant 5 : i32
        %add3A_465 = vector.broadcast %add3A_464 : i32 to vector<16xi32>
        %add3A_466 = arith.addi %add3A_92, %add3A_465 : vector<16xi32>
        %gather3A_467 = tpu.vector_load_idx %arg7[%add3A_466] : memref<65536xi32, #tpu.memory_space<vmem>>[vector<16xi32>], vector<16xi32>,
        %shift_left3A_468 = arith.constant 16 : i32
        %shift_left3A_469 = vector.broadcast %shift_left3A_468 : i32 to vector<16xi32>
        %shift_left3A_470 = arith.shli %gather3A_467, %shift_left3A_469 : vector<16xi32>
        %bitcast_convert_type3A_471 = tpu.bitcast %shift_left3A_470 : vector<16xi32> -> vector<16xf32>
        %and3A_472 = arith.constant -65536 : i32
        %and3A_473 = vector.broadcast %and3A_472 : i32 to vector<16xi32>
        %and3A_474 = arith.andi %gather3A_467, %and3A_473 : vector<16xi32>
        %bitcast_convert_type3A_475 = tpu.bitcast %and3A_474 : vector<16xi32> -> vector<16xf32>
        %mul3A_476 = arith.mulf %sub3A_76, %bitcast_convert_type3A_435 : vector<16xf32>
        %mul3A_477 = arith.mulf %sub3A_71, %bitcast_convert_type3A_447 : vector<16xf32>
        %add3A_478 = arith.addf %mul3A_476, %mul3A_477 : vector<16xf32>
        %mul3A_479 = arith.mulf %sub3A_72, %bitcast_convert_type3A_459 : vector<16xf32>
        %add3A_480 = arith.addf %add3A_478, %mul3A_479 : vector<16xf32>
        %mul3A_481 = arith.mulf %mul3A_70, %bitcast_convert_type3A_471 : vector<16xf32>
        %add3A_482 = arith.addf %add3A_480, %mul3A_481 : vector<16xf32>
        %mul3A_483 = arith.mulf %sub3A_76, %bitcast_convert_type3A_439 : vector<16xf32>
        %mul3A_484 = arith.mulf %sub3A_71, %bitcast_convert_type3A_451 : vector<16xf32>
        %add3A_485 = arith.addf %mul3A_483, %mul3A_484 : vector<16xf32>
        %mul3A_486 = arith.mulf %sub3A_72, %bitcast_convert_type3A_463 : vector<16xf32>
        %add3A_487 = arith.addf %add3A_485, %mul3A_486 : vector<16xf32>
        %mul3A_488 = arith.mulf %mul3A_70, %bitcast_convert_type3A_475 : vector<16xf32>
        %add3A_489 = arith.addf %add3A_487, %mul3A_488 : vector<16xf32>
        %broadcast_in_dim3A_490 = arith.constant 10 : i32
        %broadcast_in_dim3A_491 = vector.broadcast %broadcast_in_dim3A_490 : i32 to vector<16xi32>
        tpu.vector_store_idx %arg10[%add3A_96, %broadcast_in_dim3A_491], %add3A_482 : memref<256x32xf32, #tpu.memory_space<vmem>>[vector<16xi32>, vector<16xi32>], vector<16xf32>,
        %add3A_492 = arith.constant 1 : i32
        %add3A_493 = vector.broadcast %add3A_492 : i32 to vector<16xi32>
        %add3A_494 = arith.addi %broadcast_in_dim3A_491, %add3A_493 : vector<16xi32>
        tpu.vector_store_idx %arg10[%add3A_96, %add3A_494], %add3A_489 : memref<256x32xf32, #tpu.memory_space<vmem>>[vector<16xi32>, vector<16xi32>], vector<16xf32>,
        %add3A_495 = arith.constant 6 : i32
        %add3A_496 = vector.broadcast %add3A_495 : i32 to vector<16xi32>
        %add3A_497 = arith.addi %mul3A_83, %add3A_496 : vector<16xi32>
        %gather3A_498 = tpu.vector_load_idx %arg7[%add3A_497] : memref<65536xi32, #tpu.memory_space<vmem>>[vector<16xi32>], vector<16xi32>,
        %shift_left3A_499 = arith.constant 16 : i32
        %shift_left3A_500 = vector.broadcast %shift_left3A_499 : i32 to vector<16xi32>
        %shift_left3A_501 = arith.shli %gather3A_498, %shift_left3A_500 : vector<16xi32>
        %bitcast_convert_type3A_502 = tpu.bitcast %shift_left3A_501 : vector<16xi32> -> vector<16xf32>
        %and3A_503 = arith.constant -65536 : i32
        %and3A_504 = vector.broadcast %and3A_503 : i32 to vector<16xi32>
        %and3A_505 = arith.andi %gather3A_498, %and3A_504 : vector<16xi32>
        %bitcast_convert_type3A_506 = tpu.bitcast %and3A_505 : vector<16xi32> -> vector<16xf32>
        %add3A_507 = arith.constant 6 : i32
        %add3A_508 = vector.broadcast %add3A_507 : i32 to vector<16xi32>
        %add3A_509 = arith.addi %add3A_86, %add3A_508 : vector<16xi32>
        %gather3A_510 = tpu.vector_load_idx %arg7[%add3A_509] : memref<65536xi32, #tpu.memory_space<vmem>>[vector<16xi32>], vector<16xi32>,
        %shift_left3A_511 = arith.constant 16 : i32
        %shift_left3A_512 = vector.broadcast %shift_left3A_511 : i32 to vector<16xi32>
        %shift_left3A_513 = arith.shli %gather3A_510, %shift_left3A_512 : vector<16xi32>
        %bitcast_convert_type3A_514 = tpu.bitcast %shift_left3A_513 : vector<16xi32> -> vector<16xf32>
        %and3A_515 = arith.constant -65536 : i32
        %and3A_516 = vector.broadcast %and3A_515 : i32 to vector<16xi32>
        %and3A_517 = arith.andi %gather3A_510, %and3A_516 : vector<16xi32>
        %bitcast_convert_type3A_518 = tpu.bitcast %and3A_517 : vector<16xi32> -> vector<16xf32>
        %add3A_519 = arith.constant 6 : i32
        %add3A_520 = vector.broadcast %add3A_519 : i32 to vector<16xi32>
        %add3A_521 = arith.addi %add3A_89, %add3A_520 : vector<16xi32>
        %gather3A_522 = tpu.vector_load_idx %arg7[%add3A_521] : memref<65536xi32, #tpu.memory_space<vmem>>[vector<16xi32>], vector<16xi32>,
        %shift_left3A_523 = arith.constant 16 : i32
        %shift_left3A_524 = vector.broadcast %shift_left3A_523 : i32 to vector<16xi32>
        %shift_left3A_525 = arith.shli %gather3A_522, %shift_left3A_524 : vector<16xi32>
        %bitcast_convert_type3A_526 = tpu.bitcast %shift_left3A_525 : vector<16xi32> -> vector<16xf32>
        %and3A_527 = arith.constant -65536 : i32
        %and3A_528 = vector.broadcast %and3A_527 : i32 to vector<16xi32>
        %and3A_529 = arith.andi %gather3A_522, %and3A_528 : vector<16xi32>
        %bitcast_convert_type3A_530 = tpu.bitcast %and3A_529 : vector<16xi32> -> vector<16xf32>
        %add3A_531 = arith.constant 6 : i32
        %add3A_532 = vector.broadcast %add3A_531 : i32 to vector<16xi32>
        %add3A_533 = arith.addi %add3A_92, %add3A_532 : vector<16xi32>
        %gather3A_534 = tpu.vector_load_idx %arg7[%add3A_533] : memref<65536xi32, #tpu.memory_space<vmem>>[vector<16xi32>], vector<16xi32>,
        %shift_left3A_535 = arith.constant 16 : i32
        %shift_left3A_536 = vector.broadcast %shift_left3A_535 : i32 to vector<16xi32>
        %shift_left3A_537 = arith.shli %gather3A_534, %shift_left3A_536 : vector<16xi32>
        %bitcast_convert_type3A_538 = tpu.bitcast %shift_left3A_537 : vector<16xi32> -> vector<16xf32>
        %and3A_539 = arith.constant -65536 : i32
        %and3A_540 = vector.broadcast %and3A_539 : i32 to vector<16xi32>
        %and3A_541 = arith.andi %gather3A_534, %and3A_540 : vector<16xi32>
        %bitcast_convert_type3A_542 = tpu.bitcast %and3A_541 : vector<16xi32> -> vector<16xf32>
        %mul3A_543 = arith.mulf %sub3A_76, %bitcast_convert_type3A_502 : vector<16xf32>
        %mul3A_544 = arith.mulf %sub3A_71, %bitcast_convert_type3A_514 : vector<16xf32>
        %add3A_545 = arith.addf %mul3A_543, %mul3A_544 : vector<16xf32>
        %mul3A_546 = arith.mulf %sub3A_72, %bitcast_convert_type3A_526 : vector<16xf32>
        %add3A_547 = arith.addf %add3A_545, %mul3A_546 : vector<16xf32>
        %mul3A_548 = arith.mulf %mul3A_70, %bitcast_convert_type3A_538 : vector<16xf32>
        %add3A_549 = arith.addf %add3A_547, %mul3A_548 : vector<16xf32>
        %mul3A_550 = arith.mulf %sub3A_76, %bitcast_convert_type3A_506 : vector<16xf32>
        %mul3A_551 = arith.mulf %sub3A_71, %bitcast_convert_type3A_518 : vector<16xf32>
        %add3A_552 = arith.addf %mul3A_550, %mul3A_551 : vector<16xf32>
        %mul3A_553 = arith.mulf %sub3A_72, %bitcast_convert_type3A_530 : vector<16xf32>
        %add3A_554 = arith.addf %add3A_552, %mul3A_553 : vector<16xf32>
        %mul3A_555 = arith.mulf %mul3A_70, %bitcast_convert_type3A_542 : vector<16xf32>
        %add3A_556 = arith.addf %add3A_554, %mul3A_555 : vector<16xf32>
        %broadcast_in_dim3A_557 = arith.constant 12 : i32
        %broadcast_in_dim3A_558 = vector.broadcast %broadcast_in_dim3A_557 : i32 to vector<16xi32>
        tpu.vector_store_idx %arg10[%add3A_96, %broadcast_in_dim3A_558], %add3A_549 : memref<256x32xf32, #tpu.memory_space<vmem>>[vector<16xi32>, vector<16xi32>], vector<16xf32>,
        %add3A_559 = arith.constant 1 : i32
        %add3A_560 = vector.broadcast %add3A_559 : i32 to vector<16xi32>
        %add3A_561 = arith.addi %broadcast_in_dim3A_558, %add3A_560 : vector<16xi32>
        tpu.vector_store_idx %arg10[%add3A_96, %add3A_561], %add3A_556 : memref<256x32xf32, #tpu.memory_space<vmem>>[vector<16xi32>, vector<16xi32>], vector<16xf32>,
        %add3A_562 = arith.constant 7 : i32
        %add3A_563 = vector.broadcast %add3A_562 : i32 to vector<16xi32>
        %add3A_564 = arith.addi %mul3A_83, %add3A_563 : vector<16xi32>
        %gather3A_565 = tpu.vector_load_idx %arg7[%add3A_564] : memref<65536xi32, #tpu.memory_space<vmem>>[vector<16xi32>], vector<16xi32>,
        %shift_left3A_566 = arith.constant 16 : i32
        %shift_left3A_567 = vector.broadcast %shift_left3A_566 : i32 to vector<16xi32>
        %shift_left3A_568 = arith.shli %gather3A_565, %shift_left3A_567 : vector<16xi32>
        %bitcast_convert_type3A_569 = tpu.bitcast %shift_left3A_568 : vector<16xi32> -> vector<16xf32>
        %and3A_570 = arith.constant -65536 : i32
        %and3A_571 = vector.broadcast %and3A_570 : i32 to vector<16xi32>
        %and3A_572 = arith.andi %gather3A_565, %and3A_571 : vector<16xi32>
        %bitcast_convert_type3A_573 = tpu.bitcast %and3A_572 : vector<16xi32> -> vector<16xf32>
        %add3A_574 = arith.constant 7 : i32
        %add3A_575 = vector.broadcast %add3A_574 : i32 to vector<16xi32>
        %add3A_576 = arith.addi %add3A_86, %add3A_575 : vector<16xi32>
        %gather3A_577 = tpu.vector_load_idx %arg7[%add3A_576] : memref<65536xi32, #tpu.memory_space<vmem>>[vector<16xi32>], vector<16xi32>,
        %shift_left3A_578 = arith.constant 16 : i32
        %shift_left3A_579 = vector.broadcast %shift_left3A_578 : i32 to vector<16xi32>
        %shift_left3A_580 = arith.shli %gather3A_577, %shift_left3A_579 : vector<16xi32>
        %bitcast_convert_type3A_581 = tpu.bitcast %shift_left3A_580 : vector<16xi32> -> vector<16xf32>
        %and3A_582 = arith.constant -65536 : i32
        %and3A_583 = vector.broadcast %and3A_582 : i32 to vector<16xi32>
        %and3A_584 = arith.andi %gather3A_577, %and3A_583 : vector<16xi32>
        %bitcast_convert_type3A_585 = tpu.bitcast %and3A_584 : vector<16xi32> -> vector<16xf32>
        %add3A_586 = arith.constant 7 : i32
        %add3A_587 = vector.broadcast %add3A_586 : i32 to vector<16xi32>
        %add3A_588 = arith.addi %add3A_89, %add3A_587 : vector<16xi32>
        %gather3A_589 = tpu.vector_load_idx %arg7[%add3A_588] : memref<65536xi32, #tpu.memory_space<vmem>>[vector<16xi32>], vector<16xi32>,
        %shift_left3A_590 = arith.constant 16 : i32
        %shift_left3A_591 = vector.broadcast %shift_left3A_590 : i32 to vector<16xi32>
        %shift_left3A_592 = arith.shli %gather3A_589, %shift_left3A_591 : vector<16xi32>
        %bitcast_convert_type3A_593 = tpu.bitcast %shift_left3A_592 : vector<16xi32> -> vector<16xf32>
        %and3A_594 = arith.constant -65536 : i32
        %and3A_595 = vector.broadcast %and3A_594 : i32 to vector<16xi32>
        %and3A_596 = arith.andi %gather3A_589, %and3A_595 : vector<16xi32>
        %bitcast_convert_type3A_597 = tpu.bitcast %and3A_596 : vector<16xi32> -> vector<16xf32>
        %add3A_598 = arith.constant 7 : i32
        %add3A_599 = vector.broadcast %add3A_598 : i32 to vector<16xi32>
        %add3A_600 = arith.addi %add3A_92, %add3A_599 : vector<16xi32>
        %gather3A_601 = tpu.vector_load_idx %arg7[%add3A_600] : memref<65536xi32, #tpu.memory_space<vmem>>[vector<16xi32>], vector<16xi32>,
        %shift_left3A_602 = arith.constant 16 : i32
        %shift_left3A_603 = vector.broadcast %shift_left3A_602 : i32 to vector<16xi32>
        %shift_left3A_604 = arith.shli %gather3A_601, %shift_left3A_603 : vector<16xi32>
        %bitcast_convert_type3A_605 = tpu.bitcast %shift_left3A_604 : vector<16xi32> -> vector<16xf32>
        %and3A_606 = arith.constant -65536 : i32
        %and3A_607 = vector.broadcast %and3A_606 : i32 to vector<16xi32>
        %and3A_608 = arith.andi %gather3A_601, %and3A_607 : vector<16xi32>
        %bitcast_convert_type3A_609 = tpu.bitcast %and3A_608 : vector<16xi32> -> vector<16xf32>
        %mul3A_610 = arith.mulf %sub3A_76, %bitcast_convert_type3A_569 : vector<16xf32>
        %mul3A_611 = arith.mulf %sub3A_71, %bitcast_convert_type3A_581 : vector<16xf32>
        %add3A_612 = arith.addf %mul3A_610, %mul3A_611 : vector<16xf32>
        %mul3A_613 = arith.mulf %sub3A_72, %bitcast_convert_type3A_593 : vector<16xf32>
        %add3A_614 = arith.addf %add3A_612, %mul3A_613 : vector<16xf32>
        %mul3A_615 = arith.mulf %mul3A_70, %bitcast_convert_type3A_605 : vector<16xf32>
        %add3A_616 = arith.addf %add3A_614, %mul3A_615 : vector<16xf32>
        %mul3A_617 = arith.mulf %sub3A_76, %bitcast_convert_type3A_573 : vector<16xf32>
        %mul3A_618 = arith.mulf %sub3A_71, %bitcast_convert_type3A_585 : vector<16xf32>
        %add3A_619 = arith.addf %mul3A_617, %mul3A_618 : vector<16xf32>
        %mul3A_620 = arith.mulf %sub3A_72, %bitcast_convert_type3A_597 : vector<16xf32>
        %add3A_621 = arith.addf %add3A_619, %mul3A_620 : vector<16xf32>
        %mul3A_622 = arith.mulf %mul3A_70, %bitcast_convert_type3A_609 : vector<16xf32>
        %add3A_623 = arith.addf %add3A_621, %mul3A_622 : vector<16xf32>
        %broadcast_in_dim3A_624 = arith.constant 14 : i32
        %broadcast_in_dim3A_625 = vector.broadcast %broadcast_in_dim3A_624 : i32 to vector<16xi32>
        tpu.vector_store_idx %arg10[%add3A_96, %broadcast_in_dim3A_625], %add3A_616 : memref<256x32xf32, #tpu.memory_space<vmem>>[vector<16xi32>, vector<16xi32>], vector<16xf32>,
        %add3A_626 = arith.constant 1 : i32
        %add3A_627 = vector.broadcast %add3A_626 : i32 to vector<16xi32>
        %add3A_628 = arith.addi %broadcast_in_dim3A_625, %add3A_627 : vector<16xi32>
        tpu.vector_store_idx %arg10[%add3A_96, %add3A_628], %add3A_623 : memref<256x32xf32, #tpu.memory_space<vmem>>[vector<16xi32>, vector<16xi32>], vector<16xf32>,
        %add3A_629 = arith.constant 8 : i32
        %add3A_630 = vector.broadcast %add3A_629 : i32 to vector<16xi32>
        %add3A_631 = arith.addi %mul3A_83, %add3A_630 : vector<16xi32>
        %gather3A_632 = tpu.vector_load_idx %arg7[%add3A_631] : memref<65536xi32, #tpu.memory_space<vmem>>[vector<16xi32>], vector<16xi32>,
        %shift_left3A_633 = arith.constant 16 : i32
        %shift_left3A_634 = vector.broadcast %shift_left3A_633 : i32 to vector<16xi32>
        %shift_left3A_635 = arith.shli %gather3A_632, %shift_left3A_634 : vector<16xi32>
        %bitcast_convert_type3A_636 = tpu.bitcast %shift_left3A_635 : vector<16xi32> -> vector<16xf32>
        %and3A_637 = arith.constant -65536 : i32
        %and3A_638 = vector.broadcast %and3A_637 : i32 to vector<16xi32>
        %and3A_639 = arith.andi %gather3A_632, %and3A_638 : vector<16xi32>
        %bitcast_convert_type3A_640 = tpu.bitcast %and3A_639 : vector<16xi32> -> vector<16xf32>
        %add3A_641 = arith.constant 8 : i32
        %add3A_642 = vector.broadcast %add3A_641 : i32 to vector<16xi32>
        %add3A_643 = arith.addi %add3A_86, %add3A_642 : vector<16xi32>
        %gather3A_644 = tpu.vector_load_idx %arg7[%add3A_643] : memref<65536xi32, #tpu.memory_space<vmem>>[vector<16xi32>], vector<16xi32>,
        %shift_left3A_645 = arith.constant 16 : i32
        %shift_left3A_646 = vector.broadcast %shift_left3A_645 : i32 to vector<16xi32>
        %shift_left3A_647 = arith.shli %gather3A_644, %shift_left3A_646 : vector<16xi32>
        %bitcast_convert_type3A_648 = tpu.bitcast %shift_left3A_647 : vector<16xi32> -> vector<16xf32>
        %and3A_649 = arith.constant -65536 : i32
        %and3A_650 = vector.broadcast %and3A_649 : i32 to vector<16xi32>
        %and3A_651 = arith.andi %gather3A_644, %and3A_650 : vector<16xi32>
        %bitcast_convert_type3A_652 = tpu.bitcast %and3A_651 : vector<16xi32> -> vector<16xf32>
        %add3A_653 = arith.constant 8 : i32
        %add3A_654 = vector.broadcast %add3A_653 : i32 to vector<16xi32>
        %add3A_655 = arith.addi %add3A_89, %add3A_654 : vector<16xi32>
        %gather3A_656 = tpu.vector_load_idx %arg7[%add3A_655] : memref<65536xi32, #tpu.memory_space<vmem>>[vector<16xi32>], vector<16xi32>,
        %shift_left3A_657 = arith.constant 16 : i32
        %shift_left3A_658 = vector.broadcast %shift_left3A_657 : i32 to vector<16xi32>
        %shift_left3A_659 = arith.shli %gather3A_656, %shift_left3A_658 : vector<16xi32>
        %bitcast_convert_type3A_660 = tpu.bitcast %shift_left3A_659 : vector<16xi32> -> vector<16xf32>
        %and3A_661 = arith.constant -65536 : i32
        %and3A_662 = vector.broadcast %and3A_661 : i32 to vector<16xi32>
        %and3A_663 = arith.andi %gather3A_656, %and3A_662 : vector<16xi32>
        %bitcast_convert_type3A_664 = tpu.bitcast %and3A_663 : vector<16xi32> -> vector<16xf32>
        %add3A_665 = arith.constant 8 : i32
        %add3A_666 = vector.broadcast %add3A_665 : i32 to vector<16xi32>
        %add3A_667 = arith.addi %add3A_92, %add3A_666 : vector<16xi32>
        %gather3A_668 = tpu.vector_load_idx %arg7[%add3A_667] : memref<65536xi32, #tpu.memory_space<vmem>>[vector<16xi32>], vector<16xi32>,
        %shift_left3A_669 = arith.constant 16 : i32
        %shift_left3A_670 = vector.broadcast %shift_left3A_669 : i32 to vector<16xi32>
        %shift_left3A_671 = arith.shli %gather3A_668, %shift_left3A_670 : vector<16xi32>
        %bitcast_convert_type3A_672 = tpu.bitcast %shift_left3A_671 : vector<16xi32> -> vector<16xf32>
        %and3A_673 = arith.constant -65536 : i32
        %and3A_674 = vector.broadcast %and3A_673 : i32 to vector<16xi32>
        %and3A_675 = arith.andi %gather3A_668, %and3A_674 : vector<16xi32>
        %bitcast_convert_type3A_676 = tpu.bitcast %and3A_675 : vector<16xi32> -> vector<16xf32>
        %mul3A_677 = arith.mulf %sub3A_76, %bitcast_convert_type3A_636 : vector<16xf32>
        %mul3A_678 = arith.mulf %sub3A_71, %bitcast_convert_type3A_648 : vector<16xf32>
        %add3A_679 = arith.addf %mul3A_677, %mul3A_678 : vector<16xf32>
        %mul3A_680 = arith.mulf %sub3A_72, %bitcast_convert_type3A_660 : vector<16xf32>
        %add3A_681 = arith.addf %add3A_679, %mul3A_680 : vector<16xf32>
        %mul3A_682 = arith.mulf %mul3A_70, %bitcast_convert_type3A_672 : vector<16xf32>
        %add3A_683 = arith.addf %add3A_681, %mul3A_682 : vector<16xf32>
        %mul3A_684 = arith.mulf %sub3A_76, %bitcast_convert_type3A_640 : vector<16xf32>
        %mul3A_685 = arith.mulf %sub3A_71, %bitcast_convert_type3A_652 : vector<16xf32>
        %add3A_686 = arith.addf %mul3A_684, %mul3A_685 : vector<16xf32>
        %mul3A_687 = arith.mulf %sub3A_72, %bitcast_convert_type3A_664 : vector<16xf32>
        %add3A_688 = arith.addf %add3A_686, %mul3A_687 : vector<16xf32>
        %mul3A_689 = arith.mulf %mul3A_70, %bitcast_convert_type3A_676 : vector<16xf32>
        %add3A_690 = arith.addf %add3A_688, %mul3A_689 : vector<16xf32>
        %broadcast_in_dim3A_691 = arith.constant 16 : i32
        %broadcast_in_dim3A_692 = vector.broadcast %broadcast_in_dim3A_691 : i32 to vector<16xi32>
        tpu.vector_store_idx %arg10[%add3A_96, %broadcast_in_dim3A_692], %add3A_683 : memref<256x32xf32, #tpu.memory_space<vmem>>[vector<16xi32>, vector<16xi32>], vector<16xf32>,
        %add3A_693 = arith.constant 1 : i32
        %add3A_694 = vector.broadcast %add3A_693 : i32 to vector<16xi32>
        %add3A_695 = arith.addi %broadcast_in_dim3A_692, %add3A_694 : vector<16xi32>
        tpu.vector_store_idx %arg10[%add3A_96, %add3A_695], %add3A_690 : memref<256x32xf32, #tpu.memory_space<vmem>>[vector<16xi32>, vector<16xi32>], vector<16xf32>,
        %add3A_696 = arith.constant 9 : i32
        %add3A_697 = vector.broadcast %add3A_696 : i32 to vector<16xi32>
        %add3A_698 = arith.addi %mul3A_83, %add3A_697 : vector<16xi32>
        %gather3A_699 = tpu.vector_load_idx %arg7[%add3A_698] : memref<65536xi32, #tpu.memory_space<vmem>>[vector<16xi32>], vector<16xi32>,
        %shift_left3A_700 = arith.constant 16 : i32
        %shift_left3A_701 = vector.broadcast %shift_left3A_700 : i32 to vector<16xi32>
        %shift_left3A_702 = arith.shli %gather3A_699, %shift_left3A_701 : vector<16xi32>
        %bitcast_convert_type3A_703 = tpu.bitcast %shift_left3A_702 : vector<16xi32> -> vector<16xf32>
        %and3A_704 = arith.constant -65536 : i32
        %and3A_705 = vector.broadcast %and3A_704 : i32 to vector<16xi32>
        %and3A_706 = arith.andi %gather3A_699, %and3A_705 : vector<16xi32>
        %bitcast_convert_type3A_707 = tpu.bitcast %and3A_706 : vector<16xi32> -> vector<16xf32>
        %add3A_708 = arith.constant 9 : i32
        %add3A_709 = vector.broadcast %add3A_708 : i32 to vector<16xi32>
        %add3A_710 = arith.addi %add3A_86, %add3A_709 : vector<16xi32>
        %gather3A_711 = tpu.vector_load_idx %arg7[%add3A_710] : memref<65536xi32, #tpu.memory_space<vmem>>[vector<16xi32>], vector<16xi32>,
        %shift_left3A_712 = arith.constant 16 : i32
        %shift_left3A_713 = vector.broadcast %shift_left3A_712 : i32 to vector<16xi32>
        %shift_left3A_714 = arith.shli %gather3A_711, %shift_left3A_713 : vector<16xi32>
        %bitcast_convert_type3A_715 = tpu.bitcast %shift_left3A_714 : vector<16xi32> -> vector<16xf32>
        %and3A_716 = arith.constant -65536 : i32
        %and3A_717 = vector.broadcast %and3A_716 : i32 to vector<16xi32>
        %and3A_718 = arith.andi %gather3A_711, %and3A_717 : vector<16xi32>
        %bitcast_convert_type3A_719 = tpu.bitcast %and3A_718 : vector<16xi32> -> vector<16xf32>
        %add3A_720 = arith.constant 9 : i32
        %add3A_721 = vector.broadcast %add3A_720 : i32 to vector<16xi32>
        %add3A_722 = arith.addi %add3A_89, %add3A_721 : vector<16xi32>
        %gather3A_723 = tpu.vector_load_idx %arg7[%add3A_722] : memref<65536xi32, #tpu.memory_space<vmem>>[vector<16xi32>], vector<16xi32>,
        %shift_left3A_724 = arith.constant 16 : i32
        %shift_left3A_725 = vector.broadcast %shift_left3A_724 : i32 to vector<16xi32>
        %shift_left3A_726 = arith.shli %gather3A_723, %shift_left3A_725 : vector<16xi32>
        %bitcast_convert_type3A_727 = tpu.bitcast %shift_left3A_726 : vector<16xi32> -> vector<16xf32>
        %and3A_728 = arith.constant -65536 : i32
        %and3A_729 = vector.broadcast %and3A_728 : i32 to vector<16xi32>
        %and3A_730 = arith.andi %gather3A_723, %and3A_729 : vector<16xi32>
        %bitcast_convert_type3A_731 = tpu.bitcast %and3A_730 : vector<16xi32> -> vector<16xf32>
        %add3A_732 = arith.constant 9 : i32
        %add3A_733 = vector.broadcast %add3A_732 : i32 to vector<16xi32>
        %add3A_734 = arith.addi %add3A_92, %add3A_733 : vector<16xi32>
        %gather3A_735 = tpu.vector_load_idx %arg7[%add3A_734] : memref<65536xi32, #tpu.memory_space<vmem>>[vector<16xi32>], vector<16xi32>,
        %shift_left3A_736 = arith.constant 16 : i32
        %shift_left3A_737 = vector.broadcast %shift_left3A_736 : i32 to vector<16xi32>
        %shift_left3A_738 = arith.shli %gather3A_735, %shift_left3A_737 : vector<16xi32>
        %bitcast_convert_type3A_739 = tpu.bitcast %shift_left3A_738 : vector<16xi32> -> vector<16xf32>
        %and3A_740 = arith.constant -65536 : i32
        %and3A_741 = vector.broadcast %and3A_740 : i32 to vector<16xi32>
        %and3A_742 = arith.andi %gather3A_735, %and3A_741 : vector<16xi32>
        %bitcast_convert_type3A_743 = tpu.bitcast %and3A_742 : vector<16xi32> -> vector<16xf32>
        %mul3A_744 = arith.mulf %sub3A_76, %bitcast_convert_type3A_703 : vector<16xf32>
        %mul3A_745 = arith.mulf %sub3A_71, %bitcast_convert_type3A_715 : vector<16xf32>
        %add3A_746 = arith.addf %mul3A_744, %mul3A_745 : vector<16xf32>
        %mul3A_747 = arith.mulf %sub3A_72, %bitcast_convert_type3A_727 : vector<16xf32>
        %add3A_748 = arith.addf %add3A_746, %mul3A_747 : vector<16xf32>
        %mul3A_749 = arith.mulf %mul3A_70, %bitcast_convert_type3A_739 : vector<16xf32>
        %add3A_750 = arith.addf %add3A_748, %mul3A_749 : vector<16xf32>
        %mul3A_751 = arith.mulf %sub3A_76, %bitcast_convert_type3A_707 : vector<16xf32>
        %mul3A_752 = arith.mulf %sub3A_71, %bitcast_convert_type3A_719 : vector<16xf32>
        %add3A_753 = arith.addf %mul3A_751, %mul3A_752 : vector<16xf32>
        %mul3A_754 = arith.mulf %sub3A_72, %bitcast_convert_type3A_731 : vector<16xf32>
        %add3A_755 = arith.addf %add3A_753, %mul3A_754 : vector<16xf32>
        %mul3A_756 = arith.mulf %mul3A_70, %bitcast_convert_type3A_743 : vector<16xf32>
        %add3A_757 = arith.addf %add3A_755, %mul3A_756 : vector<16xf32>
        %broadcast_in_dim3A_758 = arith.constant 18 : i32
        %broadcast_in_dim3A_759 = vector.broadcast %broadcast_in_dim3A_758 : i32 to vector<16xi32>
        tpu.vector_store_idx %arg10[%add3A_96, %broadcast_in_dim3A_759], %add3A_750 : memref<256x32xf32, #tpu.memory_space<vmem>>[vector<16xi32>, vector<16xi32>], vector<16xf32>,
        %add3A_760 = arith.constant 1 : i32
        %add3A_761 = vector.broadcast %add3A_760 : i32 to vector<16xi32>
        %add3A_762 = arith.addi %broadcast_in_dim3A_759, %add3A_761 : vector<16xi32>
        tpu.vector_store_idx %arg10[%add3A_96, %add3A_762], %add3A_757 : memref<256x32xf32, #tpu.memory_space<vmem>>[vector<16xi32>, vector<16xi32>], vector<16xf32>,
        %add3A_763 = arith.constant 10 : i32
        %add3A_764 = vector.broadcast %add3A_763 : i32 to vector<16xi32>
        %add3A_765 = arith.addi %mul3A_83, %add3A_764 : vector<16xi32>
        %gather3A_766 = tpu.vector_load_idx %arg7[%add3A_765] : memref<65536xi32, #tpu.memory_space<vmem>>[vector<16xi32>], vector<16xi32>,
        %shift_left3A_767 = arith.constant 16 : i32
        %shift_left3A_768 = vector.broadcast %shift_left3A_767 : i32 to vector<16xi32>
        %shift_left3A_769 = arith.shli %gather3A_766, %shift_left3A_768 : vector<16xi32>
        %bitcast_convert_type3A_770 = tpu.bitcast %shift_left3A_769 : vector<16xi32> -> vector<16xf32>
        %and3A_771 = arith.constant -65536 : i32
        %and3A_772 = vector.broadcast %and3A_771 : i32 to vector<16xi32>
        %and3A_773 = arith.andi %gather3A_766, %and3A_772 : vector<16xi32>
        %bitcast_convert_type3A_774 = tpu.bitcast %and3A_773 : vector<16xi32> -> vector<16xf32>
        %add3A_775 = arith.constant 10 : i32
        %add3A_776 = vector.broadcast %add3A_775 : i32 to vector<16xi32>
        %add3A_777 = arith.addi %add3A_86, %add3A_776 : vector<16xi32>
        %gather3A_778 = tpu.vector_load_idx %arg7[%add3A_777] : memref<65536xi32, #tpu.memory_space<vmem>>[vector<16xi32>], vector<16xi32>,
        %shift_left3A_779 = arith.constant 16 : i32
        %shift_left3A_780 = vector.broadcast %shift_left3A_779 : i32 to vector<16xi32>
        %shift_left3A_781 = arith.shli %gather3A_778, %shift_left3A_780 : vector<16xi32>
        %bitcast_convert_type3A_782 = tpu.bitcast %shift_left3A_781 : vector<16xi32> -> vector<16xf32>
        %and3A_783 = arith.constant -65536 : i32
        %and3A_784 = vector.broadcast %and3A_783 : i32 to vector<16xi32>
        %and3A_785 = arith.andi %gather3A_778, %and3A_784 : vector<16xi32>
        %bitcast_convert_type3A_786 = tpu.bitcast %and3A_785 : vector<16xi32> -> vector<16xf32>
        %add3A_787 = arith.constant 10 : i32
        %add3A_788 = vector.broadcast %add3A_787 : i32 to vector<16xi32>
        %add3A_789 = arith.addi %add3A_89, %add3A_788 : vector<16xi32>
        %gather3A_790 = tpu.vector_load_idx %arg7[%add3A_789] : memref<65536xi32, #tpu.memory_space<vmem>>[vector<16xi32>], vector<16xi32>,
        %shift_left3A_791 = arith.constant 16 : i32
        %shift_left3A_792 = vector.broadcast %shift_left3A_791 : i32 to vector<16xi32>
        %shift_left3A_793 = arith.shli %gather3A_790, %shift_left3A_792 : vector<16xi32>
        %bitcast_convert_type3A_794 = tpu.bitcast %shift_left3A_793 : vector<16xi32> -> vector<16xf32>
        %and3A_795 = arith.constant -65536 : i32
        %and3A_796 = vector.broadcast %and3A_795 : i32 to vector<16xi32>
        %and3A_797 = arith.andi %gather3A_790, %and3A_796 : vector<16xi32>
        %bitcast_convert_type3A_798 = tpu.bitcast %and3A_797 : vector<16xi32> -> vector<16xf32>
        %add3A_799 = arith.constant 10 : i32
        %add3A_800 = vector.broadcast %add3A_799 : i32 to vector<16xi32>
        %add3A_801 = arith.addi %add3A_92, %add3A_800 : vector<16xi32>
        %gather3A_802 = tpu.vector_load_idx %arg7[%add3A_801] : memref<65536xi32, #tpu.memory_space<vmem>>[vector<16xi32>], vector<16xi32>,
        %shift_left3A_803 = arith.constant 16 : i32
        %shift_left3A_804 = vector.broadcast %shift_left3A_803 : i32 to vector<16xi32>
        %shift_left3A_805 = arith.shli %gather3A_802, %shift_left3A_804 : vector<16xi32>
        %bitcast_convert_type3A_806 = tpu.bitcast %shift_left3A_805 : vector<16xi32> -> vector<16xf32>
        %and3A_807 = arith.constant -65536 : i32
        %and3A_808 = vector.broadcast %and3A_807 : i32 to vector<16xi32>
        %and3A_809 = arith.andi %gather3A_802, %and3A_808 : vector<16xi32>
        %bitcast_convert_type3A_810 = tpu.bitcast %and3A_809 : vector<16xi32> -> vector<16xf32>
        %mul3A_811 = arith.mulf %sub3A_76, %bitcast_convert_type3A_770 : vector<16xf32>
        %mul3A_812 = arith.mulf %sub3A_71, %bitcast_convert_type3A_782 : vector<16xf32>
        %add3A_813 = arith.addf %mul3A_811, %mul3A_812 : vector<16xf32>
        %mul3A_814 = arith.mulf %sub3A_72, %bitcast_convert_type3A_794 : vector<16xf32>
        %add3A_815 = arith.addf %add3A_813, %mul3A_814 : vector<16xf32>
        %mul3A_816 = arith.mulf %mul3A_70, %bitcast_convert_type3A_806 : vector<16xf32>
        %add3A_817 = arith.addf %add3A_815, %mul3A_816 : vector<16xf32>
        %mul3A_818 = arith.mulf %sub3A_76, %bitcast_convert_type3A_774 : vector<16xf32>
        %mul3A_819 = arith.mulf %sub3A_71, %bitcast_convert_type3A_786 : vector<16xf32>
        %add3A_820 = arith.addf %mul3A_818, %mul3A_819 : vector<16xf32>
        %mul3A_821 = arith.mulf %sub3A_72, %bitcast_convert_type3A_798 : vector<16xf32>
        %add3A_822 = arith.addf %add3A_820, %mul3A_821 : vector<16xf32>
        %mul3A_823 = arith.mulf %mul3A_70, %bitcast_convert_type3A_810 : vector<16xf32>
        %add3A_824 = arith.addf %add3A_822, %mul3A_823 : vector<16xf32>
        %broadcast_in_dim3A_825 = arith.constant 20 : i32
        %broadcast_in_dim3A_826 = vector.broadcast %broadcast_in_dim3A_825 : i32 to vector<16xi32>
        tpu.vector_store_idx %arg10[%add3A_96, %broadcast_in_dim3A_826], %add3A_817 : memref<256x32xf32, #tpu.memory_space<vmem>>[vector<16xi32>, vector<16xi32>], vector<16xf32>,
        %add3A_827 = arith.constant 1 : i32
        %add3A_828 = vector.broadcast %add3A_827 : i32 to vector<16xi32>
        %add3A_829 = arith.addi %broadcast_in_dim3A_826, %add3A_828 : vector<16xi32>
        tpu.vector_store_idx %arg10[%add3A_96, %add3A_829], %add3A_824 : memref<256x32xf32, #tpu.memory_space<vmem>>[vector<16xi32>, vector<16xi32>], vector<16xf32>,
        %add3A_830 = arith.constant 11 : i32
        %add3A_831 = vector.broadcast %add3A_830 : i32 to vector<16xi32>
        %add3A_832 = arith.addi %mul3A_83, %add3A_831 : vector<16xi32>
        %gather3A_833 = tpu.vector_load_idx %arg7[%add3A_832] : memref<65536xi32, #tpu.memory_space<vmem>>[vector<16xi32>], vector<16xi32>,
        %shift_left3A_834 = arith.constant 16 : i32
        %shift_left3A_835 = vector.broadcast %shift_left3A_834 : i32 to vector<16xi32>
        %shift_left3A_836 = arith.shli %gather3A_833, %shift_left3A_835 : vector<16xi32>
        %bitcast_convert_type3A_837 = tpu.bitcast %shift_left3A_836 : vector<16xi32> -> vector<16xf32>
        %and3A_838 = arith.constant -65536 : i32
        %and3A_839 = vector.broadcast %and3A_838 : i32 to vector<16xi32>
        %and3A_840 = arith.andi %gather3A_833, %and3A_839 : vector<16xi32>
        %bitcast_convert_type3A_841 = tpu.bitcast %and3A_840 : vector<16xi32> -> vector<16xf32>
        %add3A_842 = arith.constant 11 : i32
        %add3A_843 = vector.broadcast %add3A_842 : i32 to vector<16xi32>
        %add3A_844 = arith.addi %add3A_86, %add3A_843 : vector<16xi32>
        %gather3A_845 = tpu.vector_load_idx %arg7[%add3A_844] : memref<65536xi32, #tpu.memory_space<vmem>>[vector<16xi32>], vector<16xi32>,
        %shift_left3A_846 = arith.constant 16 : i32
        %shift_left3A_847 = vector.broadcast %shift_left3A_846 : i32 to vector<16xi32>
        %shift_left3A_848 = arith.shli %gather3A_845, %shift_left3A_847 : vector<16xi32>
        %bitcast_convert_type3A_849 = tpu.bitcast %shift_left3A_848 : vector<16xi32> -> vector<16xf32>
        %and3A_850 = arith.constant -65536 : i32
        %and3A_851 = vector.broadcast %and3A_850 : i32 to vector<16xi32>
        %and3A_852 = arith.andi %gather3A_845, %and3A_851 : vector<16xi32>
        %bitcast_convert_type3A_853 = tpu.bitcast %and3A_852 : vector<16xi32> -> vector<16xf32>
        %add3A_854 = arith.constant 11 : i32
        %add3A_855 = vector.broadcast %add3A_854 : i32 to vector<16xi32>
        %add3A_856 = arith.addi %add3A_89, %add3A_855 : vector<16xi32>
        %gather3A_857 = tpu.vector_load_idx %arg7[%add3A_856] : memref<65536xi32, #tpu.memory_space<vmem>>[vector<16xi32>], vector<16xi32>,
        %shift_left3A_858 = arith.constant 16 : i32
        %shift_left3A_859 = vector.broadcast %shift_left3A_858 : i32 to vector<16xi32>
        %shift_left3A_860 = arith.shli %gather3A_857, %shift_left3A_859 : vector<16xi32>
        %bitcast_convert_type3A_861 = tpu.bitcast %shift_left3A_860 : vector<16xi32> -> vector<16xf32>
        %and3A_862 = arith.constant -65536 : i32
        %and3A_863 = vector.broadcast %and3A_862 : i32 to vector<16xi32>
        %and3A_864 = arith.andi %gather3A_857, %and3A_863 : vector<16xi32>
        %bitcast_convert_type3A_865 = tpu.bitcast %and3A_864 : vector<16xi32> -> vector<16xf32>
        %add3A_866 = arith.constant 11 : i32
        %add3A_867 = vector.broadcast %add3A_866 : i32 to vector<16xi32>
        %add3A_868 = arith.addi %add3A_92, %add3A_867 : vector<16xi32>
        %gather3A_869 = tpu.vector_load_idx %arg7[%add3A_868] : memref<65536xi32, #tpu.memory_space<vmem>>[vector<16xi32>], vector<16xi32>,
        %shift_left3A_870 = arith.constant 16 : i32
        %shift_left3A_871 = vector.broadcast %shift_left3A_870 : i32 to vector<16xi32>
        %shift_left3A_872 = arith.shli %gather3A_869, %shift_left3A_871 : vector<16xi32>
        %bitcast_convert_type3A_873 = tpu.bitcast %shift_left3A_872 : vector<16xi32> -> vector<16xf32>
        %and3A_874 = arith.constant -65536 : i32
        %and3A_875 = vector.broadcast %and3A_874 : i32 to vector<16xi32>
        %and3A_876 = arith.andi %gather3A_869, %and3A_875 : vector<16xi32>
        %bitcast_convert_type3A_877 = tpu.bitcast %and3A_876 : vector<16xi32> -> vector<16xf32>
        %mul3A_878 = arith.mulf %sub3A_76, %bitcast_convert_type3A_837 : vector<16xf32>
        %mul3A_879 = arith.mulf %sub3A_71, %bitcast_convert_type3A_849 : vector<16xf32>
        %add3A_880 = arith.addf %mul3A_878, %mul3A_879 : vector<16xf32>
        %mul3A_881 = arith.mulf %sub3A_72, %bitcast_convert_type3A_861 : vector<16xf32>
        %add3A_882 = arith.addf %add3A_880, %mul3A_881 : vector<16xf32>
        %mul3A_883 = arith.mulf %mul3A_70, %bitcast_convert_type3A_873 : vector<16xf32>
        %add3A_884 = arith.addf %add3A_882, %mul3A_883 : vector<16xf32>
        %mul3A_885 = arith.mulf %sub3A_76, %bitcast_convert_type3A_841 : vector<16xf32>
        %mul3A_886 = arith.mulf %sub3A_71, %bitcast_convert_type3A_853 : vector<16xf32>
        %add3A_887 = arith.addf %mul3A_885, %mul3A_886 : vector<16xf32>
        %mul3A_888 = arith.mulf %sub3A_72, %bitcast_convert_type3A_865 : vector<16xf32>
        %add3A_889 = arith.addf %add3A_887, %mul3A_888 : vector<16xf32>
        %mul3A_890 = arith.mulf %mul3A_70, %bitcast_convert_type3A_877 : vector<16xf32>
        %add3A_891 = arith.addf %add3A_889, %mul3A_890 : vector<16xf32>
        %broadcast_in_dim3A_892 = arith.constant 22 : i32
        %broadcast_in_dim3A_893 = vector.broadcast %broadcast_in_dim3A_892 : i32 to vector<16xi32>
        tpu.vector_store_idx %arg10[%add3A_96, %broadcast_in_dim3A_893], %add3A_884 : memref<256x32xf32, #tpu.memory_space<vmem>>[vector<16xi32>, vector<16xi32>], vector<16xf32>,
        %add3A_894 = arith.constant 1 : i32
        %add3A_895 = vector.broadcast %add3A_894 : i32 to vector<16xi32>
        %add3A_896 = arith.addi %broadcast_in_dim3A_893, %add3A_895 : vector<16xi32>
        tpu.vector_store_idx %arg10[%add3A_96, %add3A_896], %add3A_891 : memref<256x32xf32, #tpu.memory_space<vmem>>[vector<16xi32>, vector<16xi32>], vector<16xf32>,
        %add3A_897 = arith.constant 12 : i32
        %add3A_898 = vector.broadcast %add3A_897 : i32 to vector<16xi32>
        %add3A_899 = arith.addi %mul3A_83, %add3A_898 : vector<16xi32>
        %gather3A_900 = tpu.vector_load_idx %arg7[%add3A_899] : memref<65536xi32, #tpu.memory_space<vmem>>[vector<16xi32>], vector<16xi32>,
        %shift_left3A_901 = arith.constant 16 : i32
        %shift_left3A_902 = vector.broadcast %shift_left3A_901 : i32 to vector<16xi32>
        %shift_left3A_903 = arith.shli %gather3A_900, %shift_left3A_902 : vector<16xi32>
        %bitcast_convert_type3A_904 = tpu.bitcast %shift_left3A_903 : vector<16xi32> -> vector<16xf32>
        %and3A_905 = arith.constant -65536 : i32
        %and3A_906 = vector.broadcast %and3A_905 : i32 to vector<16xi32>
        %and3A_907 = arith.andi %gather3A_900, %and3A_906 : vector<16xi32>
        %bitcast_convert_type3A_908 = tpu.bitcast %and3A_907 : vector<16xi32> -> vector<16xf32>
        %add3A_909 = arith.constant 12 : i32
        %add3A_910 = vector.broadcast %add3A_909 : i32 to vector<16xi32>
        %add3A_911 = arith.addi %add3A_86, %add3A_910 : vector<16xi32>
        %gather3A_912 = tpu.vector_load_idx %arg7[%add3A_911] : memref<65536xi32, #tpu.memory_space<vmem>>[vector<16xi32>], vector<16xi32>,
        %shift_left3A_913 = arith.constant 16 : i32
        %shift_left3A_914 = vector.broadcast %shift_left3A_913 : i32 to vector<16xi32>
        %shift_left3A_915 = arith.shli %gather3A_912, %shift_left3A_914 : vector<16xi32>
        %bitcast_convert_type3A_916 = tpu.bitcast %shift_left3A_915 : vector<16xi32> -> vector<16xf32>
        %and3A_917 = arith.constant -65536 : i32
        %and3A_918 = vector.broadcast %and3A_917 : i32 to vector<16xi32>
        %and3A_919 = arith.andi %gather3A_912, %and3A_918 : vector<16xi32>
        %bitcast_convert_type3A_920 = tpu.bitcast %and3A_919 : vector<16xi32> -> vector<16xf32>
        %add3A_921 = arith.constant 12 : i32
        %add3A_922 = vector.broadcast %add3A_921 : i32 to vector<16xi32>
        %add3A_923 = arith.addi %add3A_89, %add3A_922 : vector<16xi32>
        %gather3A_924 = tpu.vector_load_idx %arg7[%add3A_923] : memref<65536xi32, #tpu.memory_space<vmem>>[vector<16xi32>], vector<16xi32>,
        %shift_left3A_925 = arith.constant 16 : i32
        %shift_left3A_926 = vector.broadcast %shift_left3A_925 : i32 to vector<16xi32>
        %shift_left3A_927 = arith.shli %gather3A_924, %shift_left3A_926 : vector<16xi32>
        %bitcast_convert_type3A_928 = tpu.bitcast %shift_left3A_927 : vector<16xi32> -> vector<16xf32>
        %and3A_929 = arith.constant -65536 : i32
        %and3A_930 = vector.broadcast %and3A_929 : i32 to vector<16xi32>
        %and3A_931 = arith.andi %gather3A_924, %and3A_930 : vector<16xi32>
        %bitcast_convert_type3A_932 = tpu.bitcast %and3A_931 : vector<16xi32> -> vector<16xf32>
        %add3A_933 = arith.constant 12 : i32
        %add3A_934 = vector.broadcast %add3A_933 : i32 to vector<16xi32>
        %add3A_935 = arith.addi %add3A_92, %add3A_934 : vector<16xi32>
        %gather3A_936 = tpu.vector_load_idx %arg7[%add3A_935] : memref<65536xi32, #tpu.memory_space<vmem>>[vector<16xi32>], vector<16xi32>,
        %shift_left3A_937 = arith.constant 16 : i32
        %shift_left3A_938 = vector.broadcast %shift_left3A_937 : i32 to vector<16xi32>
        %shift_left3A_939 = arith.shli %gather3A_936, %shift_left3A_938 : vector<16xi32>
        %bitcast_convert_type3A_940 = tpu.bitcast %shift_left3A_939 : vector<16xi32> -> vector<16xf32>
        %and3A_941 = arith.constant -65536 : i32
        %and3A_942 = vector.broadcast %and3A_941 : i32 to vector<16xi32>
        %and3A_943 = arith.andi %gather3A_936, %and3A_942 : vector<16xi32>
        %bitcast_convert_type3A_944 = tpu.bitcast %and3A_943 : vector<16xi32> -> vector<16xf32>
        %mul3A_945 = arith.mulf %sub3A_76, %bitcast_convert_type3A_904 : vector<16xf32>
        %mul3A_946 = arith.mulf %sub3A_71, %bitcast_convert_type3A_916 : vector<16xf32>
        %add3A_947 = arith.addf %mul3A_945, %mul3A_946 : vector<16xf32>
        %mul3A_948 = arith.mulf %sub3A_72, %bitcast_convert_type3A_928 : vector<16xf32>
        %add3A_949 = arith.addf %add3A_947, %mul3A_948 : vector<16xf32>
        %mul3A_950 = arith.mulf %mul3A_70, %bitcast_convert_type3A_940 : vector<16xf32>
        %add3A_951 = arith.addf %add3A_949, %mul3A_950 : vector<16xf32>
        %mul3A_952 = arith.mulf %sub3A_76, %bitcast_convert_type3A_908 : vector<16xf32>
        %mul3A_953 = arith.mulf %sub3A_71, %bitcast_convert_type3A_920 : vector<16xf32>
        %add3A_954 = arith.addf %mul3A_952, %mul3A_953 : vector<16xf32>
        %mul3A_955 = arith.mulf %sub3A_72, %bitcast_convert_type3A_932 : vector<16xf32>
        %add3A_956 = arith.addf %add3A_954, %mul3A_955 : vector<16xf32>
        %mul3A_957 = arith.mulf %mul3A_70, %bitcast_convert_type3A_944 : vector<16xf32>
        %add3A_958 = arith.addf %add3A_956, %mul3A_957 : vector<16xf32>
        %broadcast_in_dim3A_959 = arith.constant 24 : i32
        %broadcast_in_dim3A_960 = vector.broadcast %broadcast_in_dim3A_959 : i32 to vector<16xi32>
        tpu.vector_store_idx %arg10[%add3A_96, %broadcast_in_dim3A_960], %add3A_951 : memref<256x32xf32, #tpu.memory_space<vmem>>[vector<16xi32>, vector<16xi32>], vector<16xf32>,
        %add3A_961 = arith.constant 1 : i32
        %add3A_962 = vector.broadcast %add3A_961 : i32 to vector<16xi32>
        %add3A_963 = arith.addi %broadcast_in_dim3A_960, %add3A_962 : vector<16xi32>
        tpu.vector_store_idx %arg10[%add3A_96, %add3A_963], %add3A_958 : memref<256x32xf32, #tpu.memory_space<vmem>>[vector<16xi32>, vector<16xi32>], vector<16xf32>,
        %add3A_964 = arith.constant 13 : i32
        %add3A_965 = vector.broadcast %add3A_964 : i32 to vector<16xi32>
        %add3A_966 = arith.addi %mul3A_83, %add3A_965 : vector<16xi32>
        %gather3A_967 = tpu.vector_load_idx %arg7[%add3A_966] : memref<65536xi32, #tpu.memory_space<vmem>>[vector<16xi32>], vector<16xi32>,
        %shift_left3A_968 = arith.constant 16 : i32
        %shift_left3A_969 = vector.broadcast %shift_left3A_968 : i32 to vector<16xi32>
        %shift_left3A_970 = arith.shli %gather3A_967, %shift_left3A_969 : vector<16xi32>
        %bitcast_convert_type3A_971 = tpu.bitcast %shift_left3A_970 : vector<16xi32> -> vector<16xf32>
        %and3A_972 = arith.constant -65536 : i32
        %and3A_973 = vector.broadcast %and3A_972 : i32 to vector<16xi32>
        %and3A_974 = arith.andi %gather3A_967, %and3A_973 : vector<16xi32>
        %bitcast_convert_type3A_975 = tpu.bitcast %and3A_974 : vector<16xi32> -> vector<16xf32>
        %add3A_976 = arith.constant 13 : i32
        %add3A_977 = vector.broadcast %add3A_976 : i32 to vector<16xi32>
        %add3A_978 = arith.addi %add3A_86, %add3A_977 : vector<16xi32>
        %gather3A_979 = tpu.vector_load_idx %arg7[%add3A_978] : memref<65536xi32, #tpu.memory_space<vmem>>[vector<16xi32>], vector<16xi32>,
        %shift_left3A_980 = arith.constant 16 : i32
        %shift_left3A_981 = vector.broadcast %shift_left3A_980 : i32 to vector<16xi32>
        %shift_left3A_982 = arith.shli %gather3A_979, %shift_left3A_981 : vector<16xi32>
        %bitcast_convert_type3A_983 = tpu.bitcast %shift_left3A_982 : vector<16xi32> -> vector<16xf32>
        %and3A_984 = arith.constant -65536 : i32
        %and3A_985 = vector.broadcast %and3A_984 : i32 to vector<16xi32>
        %and3A_986 = arith.andi %gather3A_979, %and3A_985 : vector<16xi32>
        %bitcast_convert_type3A_987 = tpu.bitcast %and3A_986 : vector<16xi32> -> vector<16xf32>
        %add3A_988 = arith.constant 13 : i32
        %add3A_989 = vector.broadcast %add3A_988 : i32 to vector<16xi32>
        %add3A_990 = arith.addi %add3A_89, %add3A_989 : vector<16xi32>
        %gather3A_991 = tpu.vector_load_idx %arg7[%add3A_990] : memref<65536xi32, #tpu.memory_space<vmem>>[vector<16xi32>], vector<16xi32>,
        %shift_left3A_992 = arith.constant 16 : i32
        %shift_left3A_993 = vector.broadcast %shift_left3A_992 : i32 to vector<16xi32>
        %shift_left3A_994 = arith.shli %gather3A_991, %shift_left3A_993 : vector<16xi32>
        %bitcast_convert_type3A_995 = tpu.bitcast %shift_left3A_994 : vector<16xi32> -> vector<16xf32>
        %and3A_996 = arith.constant -65536 : i32
        %and3A_997 = vector.broadcast %and3A_996 : i32 to vector<16xi32>
        %and3A_998 = arith.andi %gather3A_991, %and3A_997 : vector<16xi32>
        %bitcast_convert_type3A_999 = tpu.bitcast %and3A_998 : vector<16xi32> -> vector<16xf32>
        %add3A_1000 = arith.constant 13 : i32
        %add3A_1001 = vector.broadcast %add3A_1000 : i32 to vector<16xi32>
        %add3A_1002 = arith.addi %add3A_92, %add3A_1001 : vector<16xi32>
        %gather3A_1003 = tpu.vector_load_idx %arg7[%add3A_1002] : memref<65536xi32, #tpu.memory_space<vmem>>[vector<16xi32>], vector<16xi32>,
        %shift_left3A_1004 = arith.constant 16 : i32
        %shift_left3A_1005 = vector.broadcast %shift_left3A_1004 : i32 to vector<16xi32>
        %shift_left3A_1006 = arith.shli %gather3A_1003, %shift_left3A_1005 : vector<16xi32>
        %bitcast_convert_type3A_1007 = tpu.bitcast %shift_left3A_1006 : vector<16xi32> -> vector<16xf32>
        %and3A_1008 = arith.constant -65536 : i32
        %and3A_1009 = vector.broadcast %and3A_1008 : i32 to vector<16xi32>
        %and3A_1010 = arith.andi %gather3A_1003, %and3A_1009 : vector<16xi32>
        %bitcast_convert_type3A_1011 = tpu.bitcast %and3A_1010 : vector<16xi32> -> vector<16xf32>
        %mul3A_1012 = arith.mulf %sub3A_76, %bitcast_convert_type3A_971 : vector<16xf32>
        %mul3A_1013 = arith.mulf %sub3A_71, %bitcast_convert_type3A_983 : vector<16xf32>
        %add3A_1014 = arith.addf %mul3A_1012, %mul3A_1013 : vector<16xf32>
        %mul3A_1015 = arith.mulf %sub3A_72, %bitcast_convert_type3A_995 : vector<16xf32>
        %add3A_1016 = arith.addf %add3A_1014, %mul3A_1015 : vector<16xf32>
        %mul3A_1017 = arith.mulf %mul3A_70, %bitcast_convert_type3A_1007 : vector<16xf32>
        %add3A_1018 = arith.addf %add3A_1016, %mul3A_1017 : vector<16xf32>
        %mul3A_1019 = arith.mulf %sub3A_76, %bitcast_convert_type3A_975 : vector<16xf32>
        %mul3A_1020 = arith.mulf %sub3A_71, %bitcast_convert_type3A_987 : vector<16xf32>
        %add3A_1021 = arith.addf %mul3A_1019, %mul3A_1020 : vector<16xf32>
        %mul3A_1022 = arith.mulf %sub3A_72, %bitcast_convert_type3A_999 : vector<16xf32>
        %add3A_1023 = arith.addf %add3A_1021, %mul3A_1022 : vector<16xf32>
        %mul3A_1024 = arith.mulf %mul3A_70, %bitcast_convert_type3A_1011 : vector<16xf32>
        %add3A_1025 = arith.addf %add3A_1023, %mul3A_1024 : vector<16xf32>
        %broadcast_in_dim3A_1026 = arith.constant 26 : i32
        %broadcast_in_dim3A_1027 = vector.broadcast %broadcast_in_dim3A_1026 : i32 to vector<16xi32>
        tpu.vector_store_idx %arg10[%add3A_96, %broadcast_in_dim3A_1027], %add3A_1018 : memref<256x32xf32, #tpu.memory_space<vmem>>[vector<16xi32>, vector<16xi32>], vector<16xf32>,
        %add3A_1028 = arith.constant 1 : i32
        %add3A_1029 = vector.broadcast %add3A_1028 : i32 to vector<16xi32>
        %add3A_1030 = arith.addi %broadcast_in_dim3A_1027, %add3A_1029 : vector<16xi32>
        tpu.vector_store_idx %arg10[%add3A_96, %add3A_1030], %add3A_1025 : memref<256x32xf32, #tpu.memory_space<vmem>>[vector<16xi32>, vector<16xi32>], vector<16xf32>,
        %add3A_1031 = arith.constant 14 : i32
        %add3A_1032 = vector.broadcast %add3A_1031 : i32 to vector<16xi32>
        %add3A_1033 = arith.addi %mul3A_83, %add3A_1032 : vector<16xi32>
        %gather3A_1034 = tpu.vector_load_idx %arg7[%add3A_1033] : memref<65536xi32, #tpu.memory_space<vmem>>[vector<16xi32>], vector<16xi32>,
        %shift_left3A_1035 = arith.constant 16 : i32
        %shift_left3A_1036 = vector.broadcast %shift_left3A_1035 : i32 to vector<16xi32>
        %shift_left3A_1037 = arith.shli %gather3A_1034, %shift_left3A_1036 : vector<16xi32>
        %bitcast_convert_type3A_1038 = tpu.bitcast %shift_left3A_1037 : vector<16xi32> -> vector<16xf32>
        %and3A_1039 = arith.constant -65536 : i32
        %and3A_1040 = vector.broadcast %and3A_1039 : i32 to vector<16xi32>
        %and3A_1041 = arith.andi %gather3A_1034, %and3A_1040 : vector<16xi32>
        %bitcast_convert_type3A_1042 = tpu.bitcast %and3A_1041 : vector<16xi32> -> vector<16xf32>
        %add3A_1043 = arith.constant 14 : i32
        %add3A_1044 = vector.broadcast %add3A_1043 : i32 to vector<16xi32>
        %add3A_1045 = arith.addi %add3A_86, %add3A_1044 : vector<16xi32>
        %gather3A_1046 = tpu.vector_load_idx %arg7[%add3A_1045] : memref<65536xi32, #tpu.memory_space<vmem>>[vector<16xi32>], vector<16xi32>,
        %shift_left3A_1047 = arith.constant 16 : i32
        %shift_left3A_1048 = vector.broadcast %shift_left3A_1047 : i32 to vector<16xi32>
        %shift_left3A_1049 = arith.shli %gather3A_1046, %shift_left3A_1048 : vector<16xi32>
        %bitcast_convert_type3A_1050 = tpu.bitcast %shift_left3A_1049 : vector<16xi32> -> vector<16xf32>
        %and3A_1051 = arith.constant -65536 : i32
        %and3A_1052 = vector.broadcast %and3A_1051 : i32 to vector<16xi32>
        %and3A_1053 = arith.andi %gather3A_1046, %and3A_1052 : vector<16xi32>
        %bitcast_convert_type3A_1054 = tpu.bitcast %and3A_1053 : vector<16xi32> -> vector<16xf32>
        %add3A_1055 = arith.constant 14 : i32
        %add3A_1056 = vector.broadcast %add3A_1055 : i32 to vector<16xi32>
        %add3A_1057 = arith.addi %add3A_89, %add3A_1056 : vector<16xi32>
        %gather3A_1058 = tpu.vector_load_idx %arg7[%add3A_1057] : memref<65536xi32, #tpu.memory_space<vmem>>[vector<16xi32>], vector<16xi32>,
        %shift_left3A_1059 = arith.constant 16 : i32
        %shift_left3A_1060 = vector.broadcast %shift_left3A_1059 : i32 to vector<16xi32>
        %shift_left3A_1061 = arith.shli %gather3A_1058, %shift_left3A_1060 : vector<16xi32>
        %bitcast_convert_type3A_1062 = tpu.bitcast %shift_left3A_1061 : vector<16xi32> -> vector<16xf32>
        %and3A_1063 = arith.constant -65536 : i32
        %and3A_1064 = vector.broadcast %and3A_1063 : i32 to vector<16xi32>
        %and3A_1065 = arith.andi %gather3A_1058, %and3A_1064 : vector<16xi32>
        %bitcast_convert_type3A_1066 = tpu.bitcast %and3A_1065 : vector<16xi32> -> vector<16xf32>
        %add3A_1067 = arith.constant 14 : i32
        %add3A_1068 = vector.broadcast %add3A_1067 : i32 to vector<16xi32>
        %add3A_1069 = arith.addi %add3A_92, %add3A_1068 : vector<16xi32>
        %gather3A_1070 = tpu.vector_load_idx %arg7[%add3A_1069] : memref<65536xi32, #tpu.memory_space<vmem>>[vector<16xi32>], vector<16xi32>,
        %shift_left3A_1071 = arith.constant 16 : i32
        %shift_left3A_1072 = vector.broadcast %shift_left3A_1071 : i32 to vector<16xi32>
        %shift_left3A_1073 = arith.shli %gather3A_1070, %shift_left3A_1072 : vector<16xi32>
        %bitcast_convert_type3A_1074 = tpu.bitcast %shift_left3A_1073 : vector<16xi32> -> vector<16xf32>
        %and3A_1075 = arith.constant -65536 : i32
        %and3A_1076 = vector.broadcast %and3A_1075 : i32 to vector<16xi32>
        %and3A_1077 = arith.andi %gather3A_1070, %and3A_1076 : vector<16xi32>
        %bitcast_convert_type3A_1078 = tpu.bitcast %and3A_1077 : vector<16xi32> -> vector<16xf32>
        %mul3A_1079 = arith.mulf %sub3A_76, %bitcast_convert_type3A_1038 : vector<16xf32>
        %mul3A_1080 = arith.mulf %sub3A_71, %bitcast_convert_type3A_1050 : vector<16xf32>
        %add3A_1081 = arith.addf %mul3A_1079, %mul3A_1080 : vector<16xf32>
        %mul3A_1082 = arith.mulf %sub3A_72, %bitcast_convert_type3A_1062 : vector<16xf32>
        %add3A_1083 = arith.addf %add3A_1081, %mul3A_1082 : vector<16xf32>
        %mul3A_1084 = arith.mulf %mul3A_70, %bitcast_convert_type3A_1074 : vector<16xf32>
        %add3A_1085 = arith.addf %add3A_1083, %mul3A_1084 : vector<16xf32>
        %mul3A_1086 = arith.mulf %sub3A_76, %bitcast_convert_type3A_1042 : vector<16xf32>
        %mul3A_1087 = arith.mulf %sub3A_71, %bitcast_convert_type3A_1054 : vector<16xf32>
        %add3A_1088 = arith.addf %mul3A_1086, %mul3A_1087 : vector<16xf32>
        %mul3A_1089 = arith.mulf %sub3A_72, %bitcast_convert_type3A_1066 : vector<16xf32>
        %add3A_1090 = arith.addf %add3A_1088, %mul3A_1089 : vector<16xf32>
        %mul3A_1091 = arith.mulf %mul3A_70, %bitcast_convert_type3A_1078 : vector<16xf32>
        %add3A_1092 = arith.addf %add3A_1090, %mul3A_1091 : vector<16xf32>
        %broadcast_in_dim3A_1093 = arith.constant 28 : i32
        %broadcast_in_dim3A_1094 = vector.broadcast %broadcast_in_dim3A_1093 : i32 to vector<16xi32>
        tpu.vector_store_idx %arg10[%add3A_96, %broadcast_in_dim3A_1094], %add3A_1085 : memref<256x32xf32, #tpu.memory_space<vmem>>[vector<16xi32>, vector<16xi32>], vector<16xf32>,
        %add3A_1095 = arith.constant 1 : i32
        %add3A_1096 = vector.broadcast %add3A_1095 : i32 to vector<16xi32>
        %add3A_1097 = arith.addi %broadcast_in_dim3A_1094, %add3A_1096 : vector<16xi32>
        tpu.vector_store_idx %arg10[%add3A_96, %add3A_1097], %add3A_1092 : memref<256x32xf32, #tpu.memory_space<vmem>>[vector<16xi32>, vector<16xi32>], vector<16xf32>,
        %add3A_1098 = arith.constant 15 : i32
        %add3A_1099 = vector.broadcast %add3A_1098 : i32 to vector<16xi32>
        %add3A_1100 = arith.addi %mul3A_83, %add3A_1099 : vector<16xi32>
        %gather3A_1101 = tpu.vector_load_idx %arg7[%add3A_1100] : memref<65536xi32, #tpu.memory_space<vmem>>[vector<16xi32>], vector<16xi32>,
        %shift_left3A_1102 = arith.constant 16 : i32
        %shift_left3A_1103 = vector.broadcast %shift_left3A_1102 : i32 to vector<16xi32>
        %shift_left3A_1104 = arith.shli %gather3A_1101, %shift_left3A_1103 : vector<16xi32>
        %bitcast_convert_type3A_1105 = tpu.bitcast %shift_left3A_1104 : vector<16xi32> -> vector<16xf32>
        %and3A_1106 = arith.constant -65536 : i32
        %and3A_1107 = vector.broadcast %and3A_1106 : i32 to vector<16xi32>
        %and3A_1108 = arith.andi %gather3A_1101, %and3A_1107 : vector<16xi32>
        %bitcast_convert_type3A_1109 = tpu.bitcast %and3A_1108 : vector<16xi32> -> vector<16xf32>
        %add3A_1110 = arith.constant 15 : i32
        %add3A_1111 = vector.broadcast %add3A_1110 : i32 to vector<16xi32>
        %add3A_1112 = arith.addi %add3A_86, %add3A_1111 : vector<16xi32>
        %gather3A_1113 = tpu.vector_load_idx %arg7[%add3A_1112] : memref<65536xi32, #tpu.memory_space<vmem>>[vector<16xi32>], vector<16xi32>,
        %shift_left3A_1114 = arith.constant 16 : i32
        %shift_left3A_1115 = vector.broadcast %shift_left3A_1114 : i32 to vector<16xi32>
        %shift_left3A_1116 = arith.shli %gather3A_1113, %shift_left3A_1115 : vector<16xi32>
        %bitcast_convert_type3A_1117 = tpu.bitcast %shift_left3A_1116 : vector<16xi32> -> vector<16xf32>
        %and3A_1118 = arith.constant -65536 : i32
        %and3A_1119 = vector.broadcast %and3A_1118 : i32 to vector<16xi32>
        %and3A_1120 = arith.andi %gather3A_1113, %and3A_1119 : vector<16xi32>
        %bitcast_convert_type3A_1121 = tpu.bitcast %and3A_1120 : vector<16xi32> -> vector<16xf32>
        %add3A_1122 = arith.constant 15 : i32
        %add3A_1123 = vector.broadcast %add3A_1122 : i32 to vector<16xi32>
        %add3A_1124 = arith.addi %add3A_89, %add3A_1123 : vector<16xi32>
        %gather3A_1125 = tpu.vector_load_idx %arg7[%add3A_1124] : memref<65536xi32, #tpu.memory_space<vmem>>[vector<16xi32>], vector<16xi32>,
        %shift_left3A_1126 = arith.constant 16 : i32
        %shift_left3A_1127 = vector.broadcast %shift_left3A_1126 : i32 to vector<16xi32>
        %shift_left3A_1128 = arith.shli %gather3A_1125, %shift_left3A_1127 : vector<16xi32>
        %bitcast_convert_type3A_1129 = tpu.bitcast %shift_left3A_1128 : vector<16xi32> -> vector<16xf32>
        %and3A_1130 = arith.constant -65536 : i32
        %and3A_1131 = vector.broadcast %and3A_1130 : i32 to vector<16xi32>
        %and3A_1132 = arith.andi %gather3A_1125, %and3A_1131 : vector<16xi32>
        %bitcast_convert_type3A_1133 = tpu.bitcast %and3A_1132 : vector<16xi32> -> vector<16xf32>
        %add3A_1134 = arith.constant 15 : i32
        %add3A_1135 = vector.broadcast %add3A_1134 : i32 to vector<16xi32>
        %add3A_1136 = arith.addi %add3A_92, %add3A_1135 : vector<16xi32>
        %gather3A_1137 = tpu.vector_load_idx %arg7[%add3A_1136] : memref<65536xi32, #tpu.memory_space<vmem>>[vector<16xi32>], vector<16xi32>,
        %shift_left3A_1138 = arith.constant 16 : i32
        %shift_left3A_1139 = vector.broadcast %shift_left3A_1138 : i32 to vector<16xi32>
        %shift_left3A_1140 = arith.shli %gather3A_1137, %shift_left3A_1139 : vector<16xi32>
        %bitcast_convert_type3A_1141 = tpu.bitcast %shift_left3A_1140 : vector<16xi32> -> vector<16xf32>
        %and3A_1142 = arith.constant -65536 : i32
        %and3A_1143 = vector.broadcast %and3A_1142 : i32 to vector<16xi32>
        %and3A_1144 = arith.andi %gather3A_1137, %and3A_1143 : vector<16xi32>
        %bitcast_convert_type3A_1145 = tpu.bitcast %and3A_1144 : vector<16xi32> -> vector<16xf32>
        %mul3A_1146 = arith.mulf %sub3A_76, %bitcast_convert_type3A_1105 : vector<16xf32>
        %mul3A_1147 = arith.mulf %sub3A_71, %bitcast_convert_type3A_1117 : vector<16xf32>
        %add3A_1148 = arith.addf %mul3A_1146, %mul3A_1147 : vector<16xf32>
        %mul3A_1149 = arith.mulf %sub3A_72, %bitcast_convert_type3A_1129 : vector<16xf32>
        %add3A_1150 = arith.addf %add3A_1148, %mul3A_1149 : vector<16xf32>
        %mul3A_1151 = arith.mulf %mul3A_70, %bitcast_convert_type3A_1141 : vector<16xf32>
        %add3A_1152 = arith.addf %add3A_1150, %mul3A_1151 : vector<16xf32>
        %mul3A_1153 = arith.mulf %sub3A_76, %bitcast_convert_type3A_1109 : vector<16xf32>
        %mul3A_1154 = arith.mulf %sub3A_71, %bitcast_convert_type3A_1121 : vector<16xf32>
        %add3A_1155 = arith.addf %mul3A_1153, %mul3A_1154 : vector<16xf32>
        %mul3A_1156 = arith.mulf %sub3A_72, %bitcast_convert_type3A_1133 : vector<16xf32>
        %add3A_1157 = arith.addf %add3A_1155, %mul3A_1156 : vector<16xf32>
        %mul3A_1158 = arith.mulf %mul3A_70, %bitcast_convert_type3A_1145 : vector<16xf32>
        %add3A_1159 = arith.addf %add3A_1157, %mul3A_1158 : vector<16xf32>
        %broadcast_in_dim3A_1160 = arith.constant 30 : i32
        %broadcast_in_dim3A_1161 = vector.broadcast %broadcast_in_dim3A_1160 : i32 to vector<16xi32>
        tpu.vector_store_idx %arg10[%add3A_96, %broadcast_in_dim3A_1161], %add3A_1152 : memref<256x32xf32, #tpu.memory_space<vmem>>[vector<16xi32>, vector<16xi32>], vector<16xf32>,
        %add3A_1162 = arith.constant 1 : i32
        %add3A_1163 = vector.broadcast %add3A_1162 : i32 to vector<16xi32>
        %add3A_1164 = arith.addi %broadcast_in_dim3A_1161, %add3A_1163 : vector<16xi32>
        tpu.vector_store_idx %arg10[%add3A_96, %add3A_1164], %add3A_1159 : memref<256x32xf32, #tpu.memory_space<vmem>>[vector<16xi32>, vector<16xi32>], vector<16xf32>,
      }
      %scan3A_19 = arith.constant 16 : i32
      %lt3A = arith.constant 2 : i32
      %lt3A_20 = arith.cmpi slt, %and3A_1, %lt3A : i32
      %convert_element_type3A = arith.extui %lt3A_20 : i1 to i32
      %cond3A = arith.constant 0 : i32
      %cond3A_21 = arith.cmpi ne, %convert_element_type3A, %cond3A : i32
      scf.if %cond3A_21 {
        "tpu.region"() ({
          %run_scoped3A = tpu.sem_alloc : memref<!tpu.dma_semaphore, #tpu.memory_space<semaphore_mem>>
          %dma_start3A = arith.constant 0 : i32
          %dma_start3A_26 = tpu.memref_slice %arg5[%and3A_6, %add3A_14, %dma_start3A] : memref<2x1048576x32xf32, #tpu.memory_space<hbm>> -> memref<1x256x32xf32, #tpu.memory_space<hbm>>
          %dma_start3A_27 = tpu.memref_squeeze %dma_start3A_26 : memref<1x256x32xf32, #tpu.memory_space<hbm>> -> memref<256x32xf32, #tpu.memory_space<hbm>>
          %dma_start3A_28 = arith.constant 0 : i32
          %dma_start3A_29 = tpu.memref_slice %arg5[%and3A_6, %add3A_14, %dma_start3A_28] : memref<2x1048576x32xf32, #tpu.memory_space<hbm>> -> memref<1x256x32xf32, #tpu.memory_space<hbm>>
          %dma_start3A_30 = tpu.memref_squeeze %dma_start3A_29 : memref<1x256x32xf32, #tpu.memory_space<hbm>> -> memref<256x32xf32, #tpu.memory_space<hbm>>
          tpu.enqueue_dma source(%arg10 : memref<256x32xf32, #tpu.memory_space<vmem>>) target(%dma_start3A_30 : memref<256x32xf32, #tpu.memory_space<hbm>>) target_semaphore(%run_scoped3A : memref<!tpu.dma_semaphore, #tpu.memory_space<semaphore_mem>>)
          %dma_wait3A = arith.constant 0 : i32
          %dma_wait3A_31 = tpu.memref_slice %arg5[%and3A_6, %add3A_14, %dma_wait3A] : memref<2x1048576x32xf32, #tpu.memory_space<hbm>> -> memref<1x256x32xf32, #tpu.memory_space<hbm>>
          %dma_wait3A_32 = tpu.memref_squeeze %dma_wait3A_31 : memref<1x256x32xf32, #tpu.memory_space<hbm>> -> memref<256x32xf32, #tpu.memory_space<hbm>>
          %dma_wait3A_33 = arith.constant 0 : i32
          %dma_wait3A_34 = tpu.memref_slice %arg5[%and3A_6, %add3A_14, %dma_wait3A_33] : memref<2x1048576x32xf32, #tpu.memory_space<hbm>> -> memref<1x256x32xf32, #tpu.memory_space<hbm>>
          %dma_wait3A_35 = tpu.memref_squeeze %dma_wait3A_34 : memref<1x256x32xf32, #tpu.memory_space<hbm>> -> memref<256x32xf32, #tpu.memory_space<hbm>>
          tpu.wait_dma2 semaphore(%run_scoped3A : memref<!tpu.dma_semaphore, #tpu.memory_space<semaphore_mem>>) src(%arg10 : memref<256x32xf32, #tpu.memory_space<vmem>>) dst(%dma_wait3A_35 : memref<256x32xf32, #tpu.memory_space<hbm>>)
          tpu.yield
        }) : () -> ()
      } else {
      }
      %ge3A = arith.constant 2 : i32
      %ge3A_22 = arith.cmpi sge, %and3A_1, %ge3A : i32
      %convert_element_type3A_23 = arith.extui %ge3A_22 : i1 to i32
      %cond3A_24 = arith.constant 0 : i32
      %cond3A_25 = arith.cmpi ne, %convert_element_type3A_23, %cond3A_24 : i32
      scf.if %cond3A_25 {
        "tpu.region"() ({
          %run_scoped3A = tpu.sem_alloc : memref<!tpu.dma_semaphore, #tpu.memory_space<semaphore_mem>>
          %dma_start3A = arith.constant 0 : i32
          %dma_start3A_26 = tpu.memref_slice %arg6[%and3A_6, %add3A_14, %dma_start3A] : memref<2x1048576x32xf32, #tpu.memory_space<hbm>> -> memref<1x256x32xf32, #tpu.memory_space<hbm>>
          %dma_start3A_27 = tpu.memref_squeeze %dma_start3A_26 : memref<1x256x32xf32, #tpu.memory_space<hbm>> -> memref<256x32xf32, #tpu.memory_space<hbm>>
          %dma_start3A_28 = arith.constant 0 : i32
          %dma_start3A_29 = tpu.memref_slice %arg6[%and3A_6, %add3A_14, %dma_start3A_28] : memref<2x1048576x32xf32, #tpu.memory_space<hbm>> -> memref<1x256x32xf32, #tpu.memory_space<hbm>>
          %dma_start3A_30 = tpu.memref_squeeze %dma_start3A_29 : memref<1x256x32xf32, #tpu.memory_space<hbm>> -> memref<256x32xf32, #tpu.memory_space<hbm>>
          tpu.enqueue_dma source(%arg10 : memref<256x32xf32, #tpu.memory_space<vmem>>) target(%dma_start3A_30 : memref<256x32xf32, #tpu.memory_space<hbm>>) target_semaphore(%run_scoped3A : memref<!tpu.dma_semaphore, #tpu.memory_space<semaphore_mem>>)
          %dma_wait3A = arith.constant 0 : i32
          %dma_wait3A_31 = tpu.memref_slice %arg6[%and3A_6, %add3A_14, %dma_wait3A] : memref<2x1048576x32xf32, #tpu.memory_space<hbm>> -> memref<1x256x32xf32, #tpu.memory_space<hbm>>
          %dma_wait3A_32 = tpu.memref_squeeze %dma_wait3A_31 : memref<1x256x32xf32, #tpu.memory_space<hbm>> -> memref<256x32xf32, #tpu.memory_space<hbm>>
          %dma_wait3A_33 = arith.constant 0 : i32
          %dma_wait3A_34 = tpu.memref_slice %arg6[%and3A_6, %add3A_14, %dma_wait3A_33] : memref<2x1048576x32xf32, #tpu.memory_space<hbm>> -> memref<1x256x32xf32, #tpu.memory_space<hbm>>
          %dma_wait3A_35 = tpu.memref_squeeze %dma_wait3A_34 : memref<1x256x32xf32, #tpu.memory_space<hbm>> -> memref<256x32xf32, #tpu.memory_space<hbm>>
          tpu.wait_dma2 semaphore(%run_scoped3A : memref<!tpu.dma_semaphore, #tpu.memory_space<semaphore_mem>>) src(%arg10 : memref<256x32xf32, #tpu.memory_space<vmem>>) dst(%dma_wait3A_35 : memref<256x32xf32, #tpu.memory_space<hbm>>)
          tpu.yield
        }) : () -> ()
      } else {
      }
    }
    %scan3A_10 = arith.constant 512 : i32
    return
  }
}

</mosaic_0001>

<sc_bundles>
// kernel: _sc_call.3.cloned.1.call-start
scs
__scs_entry_jumppad:
0x0: {  	(pc) =	sbr.rel $0x88, $3  }
0x1: {  	(tag) =	ssettag $0x0;
	lr =	simm.s32 $0x1  }
0x2: {  	[smem:$0x3F9E] =	sst lr;
	_ =	strace $0xD0000000  }
0x3: {  	_ = 	snop  }
0x4: {  	_ = 	snop  }
0x5: {  	_ = 	snop  }
0x6: {  	_ = 	snop  }
0x7: {  	_ = 	snop  }
__scs_overlays_trampoline_lowered:
0x8: {  	[smem:$0x3FAD] =	sst s0  }
0x9: {  	[smem:$0x3FAE] =	sst s1  }
0xa: {  	[smem:$0x3FAF] =	sst s2  }
0xb: {  	[smem:$0x3FB0] =	sst s3  }
0xc: {  	[smem:$0x3FB1] =	sst s4  }
0xd: {  	[smem:$0x3FB2] =	sst s5  }
0xe: {  	[smem:$0x3FB3] =	sst s6  }
0xf: {  	[smem:$0x3FB4] =	sst s7  }
0x10: {  	[smem:$0x3FB5] =	sst s8  }
0x11: {  	[smem:$0x3FB6] =	sst s9;
	s0 =	simm.s32 @!p0 $0x0  }
0x12: {  	s1 =	sld [smem:$0x3F9C];
	s0 =	simm.s32 @p0 $0x1  }
0x13: {  	[smem:$0x3FB7] =	sst s0;
	s0 =	simm.s32 @!p1 $0x0  }
0x14: {  	s2 =	sld [smem:$0x3F9B];
	s0 =	simm.s32 @p1 $0x1  }
0x15: {  	[smem:$0x3FB8] =	sst s0;
	s0 =	simm.s32 @!p2 $0x0  }
0x16: {  	s3 =	sld [smem:$0x3FDB];
	s0 =	simm.s32 @p2 $0x1  }
0x17: {  	s4 =	simm.s32 $0x1BF5;
	[smem:$0x3FBA] =	sst s0  }
0x18: {  	s0 =	sld [smem:$0x3F9D];
	_ =	swait.ge [sflag:s4], $0x0  }
0x19: {  	s7 =	sld [smem:$0x3F9E]  }
0x1a: {  	s8 =	sadd.s32 $0xFFFFE003, lr  }
0x1b: {  	s9 =	sadd.s32 $0xFFFFFEF7, lr;
	s5 =	simm.s32 $0xFFFFFFFF;
	p2 =	slt.u32 s8, $0xFFFFF086  }
0x1c: {  	p1 =	slt.u32 s9, $0xF7A;
	s5 =	simm.s32 @!p2 $0x0  }
0x1d: {  	s5 =	simm.s32 @p1 $0x1;
	p0 =	seq.s32 s7, s2  }
0x1e: {  	s7 =	smul.u32 @!p0 $0xF7A, s2;
	p2 =	seq.s32 @!p0 s5, $0x0  }
0x1f: {  	s9 =	smul.u32 $0xF7A, s1;
	s8 =	simm.s32 @!p0 $0x1BF5;
	p2 =	por !p2, p0  }
0x20: {  	[sflag:s8] =	ssyncset.s32 @!p0 $0xFFFFF086;
	s6 =	sadd.s32 @!p0 s3, s7;
	s7 =	simm.s32 @!p0 $0x108  }
0x21: {  	s3 =	sadd.s32 s3, s9;
	s6 =	sadd.s32 @!p0 $0x88, s6;
	s7 =	simm.s32 @p2 $0x1082  }
0x22: {  	[simem:s7], [sflag:s8] =	dma.local @!p0 [hbm:s6], $0xF7A  }
0x23: {  	s9 =	sor.u32 $0xD0000000, s2;
	s6 =	simm.s32 $0x108;
	_ =	swait.ge @!p0 [sflag:s8], $0x0  }
0x24: {  	s3 =	sadd.s32 $0x88, s3;
	s6 =	simm.s32 @!p1 $0x1082;
	[sflag:s4] =	ssyncset.s32 $0xFFFFF086  }
0x25: {  	[simem:s6], [sflag:s4] =	dma.local [hbm:s3], $0xF7A  }
0x26: {  	[smem:$0x3F9E] =	sst s1;
	(tag) =	ssettag s2;
	_ =	strace s9  }
0x27: {  	s1 =	sld [smem:$0x3FAE]  }
0x28: {  	s2 =	sld [smem:$0x3FAF]  }
0x29: {  	s4 =	sld [smem:$0x3FB1]  }
0x2a: {  	p0 =	seq.s32 s5, $0x0;
	s5 =	sld [smem:$0x3FB2]  }
0x2b: {  	s6 =	sld [smem:$0x3FB3]  }
0x2c: {  	s7 =	sld [smem:$0x3FB4]  }
0x2d: {  	s3 =	simm.s32 $0x108;
	s8 =	sld [smem:$0x3FB5]  }
0x2e: {  	s3 =	simm.s32 @!p0 $0x1082;
	s9 =	sld [smem:$0x3FB6]  }
0x2f: {  	lr =	sadd.s32 s0, s3;
	s0 =	sld [smem:$0x3FAD]  }
0x30: {  	s3 =	sld [smem:$0x3FB0]  }
0x31: {  	[smem:$0x3FB9] =	sst s10  }
0x32: {  	s10 =	sld [smem:$0x3FB7];
	_ =	sdelay $0x3  }
0x33: {  	p0 =	seq.s32 s10, $0x1;
	s10 =	sld [smem:$0x3FB9];
	_ =	sdelay $0x3  }
0x34: {  	[smem:$0x3FB9] =	sst s10  }
0x35: {  	s10 =	sld [smem:$0x3FB8];
	_ =	sdelay $0x3  }
0x36: {  	p1 =	seq.s32 s10, $0x1;
	s10 =	sld [smem:$0x3FB9];
	_ =	sdelay $0x3  }
0x37: {  	[smem:$0x3FB9] =	sst s10  }
0x38: {  	s10 =	sld [smem:$0x3FBA]  }
0x39: {  	_ = 	snop;
	(pc) =	sbr.ind lr, $3  }
0x3a: {  	_ = 	snop  }
0x3b: {  	_ = 	snop  }
0x3c: {  	p2 =	seq.s32 s10, $0x1;
	s10 =	sld [smem:$0x3FB9]  }
0x3d: {  	_ =	shalt  }
0x3e: {  	_ =	shalt  }
0x3f: {  	_ =	shalt  }
0x40: {  	_ =	shalt  }
0x41: {  	_ =	shalt  }
0x42: {  	_ =	shalt  }
0x43: {  	_ =	shalt  }
0x44: {  	_ =	shalt  }
0x45: {  	_ =	shalt  }
0x46: {  	_ =	shalt  }
0x47: {  	_ =	shalt  }
0x48: {  	_ =	shalt  }
0x49: {  	_ =	shalt  }
0x4a: {  	_ =	shalt  }
0x4b: {  	_ =	shalt  }
0x4c: {  	_ =	shalt  }
0x4d: {  	_ =	shalt  }
0x4e: {  	_ =	shalt  }
0x4f: {  	_ =	shalt  }
0x50: {  	_ =	shalt  }
0x51: {  	_ =	shalt  }
0x52: {  	_ =	shalt  }
0x53: {  	_ =	shalt  }
0x54: {  	_ =	shalt  }
0x55: {  	_ =	shalt  }
0x56: {  	_ =	shalt  }
0x57: {  	_ =	shalt  }
0x58: {  	_ =	shalt  }
0x59: {  	_ =	shalt  }
0x5a: {  	_ =	shalt  }
0x5b: {  	_ =	shalt  }
0x5c: {  	_ =	shalt  }
0x5d: {  	_ =	shalt  }
0x5e: {  	_ =	shalt  }
0x5f: {  	_ =	shalt  }
0x60: {  	_ =	shalt  }
0x61: {  	_ =	shalt  }
0x62: {  	_ =	shalt  }
0x63: {  	_ =	shalt  }
0x64: {  	_ =	shalt  }
0x65: {  	_ =	shalt  }
0x66: {  	_ =	shalt  }
0x67: {  	_ =	shalt  }
0x68: {  	_ =	shalt  }
0x69: {  	_ =	shalt  }
0x6a: {  	_ =	shalt  }
0x6b: {  	_ =	shalt  }
0x6c: {  	_ =	shalt  }
0x6d: {  	_ =	shalt  }
0x6e: {  	_ =	shalt  }
0x6f: {  	_ =	shalt  }
0x70: {  	_ =	shalt  }
0x71: {  	_ =	shalt  }
0x72: {  	_ =	shalt  }
0x73: {  	_ =	shalt  }
0x74: {  	_ =	shalt  }
0x75: {  	_ =	shalt  }
0x76: {  	_ =	shalt  }
0x77: {  	_ =	shalt  }
0x78: {  	_ =	shalt  }
0x79: {  	_ =	shalt  }
0x7a: {  	_ =	shalt  }
0x7b: {  	_ =	shalt  }
0x7c: {  	_ =	shalt  }
0x7d: {  	_ =	shalt  }
0x7e: {  	_ =	shalt  }
0x7f: {  	_ =	shalt  }
0x80: {  	_ =	shalt  }
0x81: {  	_ =	shalt  }
0x82: {  	_ =	shalt  }
0x83: {  	_ =	shalt  }
0x84: {  	_ =	shalt  }
0x85: {  	_ =	shalt  }
0x86: {  	_ =	shalt  }
0x87: {  	_ =	shalt  }
.Lfunc_end0:
.L_simem_size_0:
called_computation_lowered:
.L_overlay_start_0:
0x88: {  	s2 =	sld [smem:$0x3FD9]  }
0x89: {  	s3 =	sld [smem:$0x3FFE];
	_ =	sdelay $0x1  }
0x8a: {  	s1 =	srdreg.scid  }
0x8b: {  	s0 =	sand.u32 $0x1, s1  }
0x8c: {  	s17 =	sshll.u32 s0, $0xA;
	s2 =	sadd.s32 s3, s2  }
0x8d: {  	s2 =	sadd.s32 s2, s17  }
0x8e: {  	[smem:$0x3FC5] =	sst s2  }
0x8f: {  	_ = 	snop  }
0x90: {  	s2 =	sld [smem:$0x3FC9]  }
0x91: {  	s18 =	sld [smem:$0x3FC8]  }
0x92: {  	s4 =	sld [smem:$0x3FC7];
	(tm) =	ssettm $0x1  }
0x93: {  	s5 =	sld [smem:$0x3FFB];
	_ =	sdelay $0x3  }
0x94: {  	_ =	strace s5  }
0x95: {  	s5 =	sld [smem:$0x3FFC];
	_ =	sdelay $0x3  }
0x96: {  	_ =	strace s5  }
0x97: {  	s5 =	sld [smem:$0x3FFD];
	_ =	sdelay $0x3  }
0x98: {  	_ =	strace s5  }
0x99: {  	_ =	strace $0x8FFFFFFF  }
0x9a: {  	s19 =	sld [smem:$0x3FDB];
	_ =	sdelay $0x1  }
0x9b: {  	s6 =	simm.s32 $_scs_section_size  }
0x9c: {  	s7 =	simm.s32 $_size__tile_overlayer_lowered;
	s8 =	simm.s32 $_tile_overlayer_lowered  }
0x9d: {  	s22 =	simm.s32 $0x1BFF;
	s21 =	sshll.u32 s8, $0x1;
	s5 =	sadd.s32 s6, s19  }
0x9e: {  	s9 =	simm.s32 $0x0;
	s20 =	sshll.u32 s7, $0x1;
	s7 =	sadd.s32 s21, s5  }
0x9f: {  	[timem:s9], [sflag:s22] =	dma.local [hbm:s7], s20  }
0xa0: {  	_ =	swait.ge [sflag:s22], s20  }
0xa1: {  	s6 =	ssub.s32 $0x0, s20;
	[sflag:s22] =	ssyncset.done $0x0  }
0xa2: {  	[sflag:s22] =	ssyncadd.s32 s6;
	_ =	sdelay $0x1  }
0xa3: {  	s23 =	simm.s32 $0x1B8B  }
0xa4: {  	_ =	swait.ge [sflag:s23], $0x1  }
0xa5: {  	[sflag:s23] =	ssyncset.done $0x0  }
0xa6: {  	s25 =	simm.s32 $0x1B8E;
	s24 =	sld [smem:$0x3FFE];
	[sflag:s23] =	ssyncadd.s32 $0xFFFFFFFF  }
0xa7: {  	s26 =	simm.s32 $execute0_lowered;
	[smem:$0x3FD2] =	sst s25  }
0xa8: {  	s7 =	sshll.u32 s26, $0x1;
	_ =	strace $0x80000046;
	[dreg:$0x1] =	wrdreg $0xFFFFFFFF  }
0xa9: {  	s28 =	simm.s32 $_size_execute0_lowered;
	s5 =	sadd.s32 s5, s7;
	[dreg:$0x0] =	wrdreg $0x0  }
0xaa: {  	s7 =	sshll.u32 s28, $0x1;
	[dreg:$0x2] =	wrdreg s5  }
0xab: {  	[dreg:$0x3] =	wrdreg s7  }
0xac: {  	[dreg:$0x4] =	wrdreg $0xC0  }
0xad: {  	_ =	task [dreg:s9], $0x5FFFF  }
0xae: {  	[dreg:$0x1] =	wrdreg $0xFFFFFFFF  }
0xaf: {  	[dreg:$0x0] =	wrdreg $0x60  }
0xb0: {  	[dreg:$0x2] =	wrdreg s2  }
0xb1: {  	[dreg:$0x3] =	wrdreg s18  }
0xb2: {  	[dreg:$0x4] =	wrdreg s4  }
0xb3: {  	[dreg:$0x5] =	wrdreg s24  }
0xb4: {  	[dreg:$0x6] =	wrdreg $0x9  }
0xb5: {  	_ =	task.clear_ibuf [dreg:s9], $0x7FFFF;
	_ =	strace $0x90000046  }
0xb6: {  	s29 =	simm.s32 $0x9;
	_ =	strace $0x80000048  }
0xb7: {  	_ =	swait.ge [sflag:s29], $0x1  }
0xb8: {  	[sflag:s29] =	ssyncadd.s32 $0xFFFFFFFF  }
0xb9: {  	_ =	strace $0x90000048  }
0xba: {  	_ =	sfence  }
0xbb: {  	s30 =	sld [smem:$0x0];
	_ =	sdelay $0x2  }
0xbc: {  	s31 =	sshll.u32 s1, $0xD;
	s1 =	sshrl.u32 s1, $0x2  }
0xbd: {  	s3 =	sand.u32 $0x4000, s31;
	s1 =	sadd.s32 s1, s30  }
0xbe: {  	s0 =	sor.u32 s3, s0;
	s1 =	sshll.u32 s1, $0x11  }
0xbf: {  	s0 =	sor.u32 s1, s0  }
0xc0: {  	s0 =	sadd.s32 $0x8F2B, s0  }
0xc1: {  	[sflag:s0] =	ssyncadd.remote.s32 $0x1  }
0xc2: {  	_ =	sfence.sel $0xFFFF  }
0xc3: {  	[dreg:$0x0] =	wrdreg $0xFFFFFFFF;
	(pc) =	sbr.abs _section_cstart, $3  }
0xc4: {  	[dreg:$0x1] =	wrdreg $0xFFFFFFFF  }
0xc5: {  	_ =	task.clear_ibuf [dreg:s9], $0x2FFFF;
	_ =	strace $0x9FFFFFFF  }
0xc6: {  	(tm) =	ssettm $0x7FFFFFFF  }
0xc7: {  	_ =	shalt  }
tec
execute0_lowered:
.L_overlay_start_1:
0x0: {  	(tag) =	ssettag $0x1  }
0x1: {  	s1 =	rddreg [dreg:$0x0]  }
0x2: {  	s2 =	rddreg [dreg:$0x1]  }
0x3: {  	s6 =	rddreg [dreg:$0x2]  }
0x4: {  	s8 =	rddreg [dreg:$0x3]  }
0x5: {  	s0 =	rddreg [dreg:$0x4];
	s5 =	srdreg.scid  }
0x6: {  	s4 =	simm.s32 $0x0;
	s3 =	stileid.u32;
	s12 =	simm.s32 $0x2  }
0x7: {  	s13 =	simm.s32 $0x2;
	s14 =	simm.s32 $0x10200;
	s15 =	simm.s32 $0x0  }
0x8: {  	s7 =	sand.u32 $0x1, s5;
	[smem:$0x7FF] =	sst s4;
	s9 =	sshll.u32 s3, $0x1  }
0x9: {  	s30 =	sshll.u32 s3, $0x10;
	s5 =	ssub.s32 $0x2, s7;
	_ =	strace $0x80000047  }
0xa: {  	s9 =	sand.u32 $0x2, s9;
	s31 =	sshll.u32 s7, $0x18;
	s10 =	sshrl.u32 s5, $0x1  }
0xb: {  	s11 =	sor.u32 s7, s9;
	p0 =	seq.s32 s9, $0x0;
	s9 =	simm.s32 $0x800  }
0xc: {  	s10 =	ssub.s32 s5, s10;
	s11 =	sshll.u32 s11, $0x4;
	s5 =	sand.u32 $0xE0000, s30  }
0xd: {  	s9 =	simm.s32 @!p0 $0x2000800;
	s13 =	simm.s32 @!p0 $0x1;
	s6 =	sadd.s32 s6, s11  }
0xe: {  	v0 =	vlaneseq.u32;
	s7 =	smax.u32 s10, $0x1;
	s8 =	sadd.s32 s9, s8;
	s9 =	simm.s32 $0x80  }
0xf: {  	v0 =	vmul.u32 $0x80, v0;
	s10 =	simm.s32 $0x200;
	s11 =	simm.s32 $0x1;
	s8 =	sadd.s32 s8, s31  }
.LBB2_1:
0x10: {  	[tilespmem:s4], [sflag:$0x1] =	stream.strided.gather [hbm4b:s6+s9], $0x10000, s10, s9, $0x38;
	[tilespmem:$0x18200] =	vst v63  }
0x11: {  	_ =	swait.ge [sflag:s11], $0x10000  }
0x12: {  	[sflag:s11] =	ssyncset.done $0x0  }
0x13: {  	s16 =	simm.s32 $0x0;
	[sflag:s11] =	ssyncadd.s32 $0xFFFF0000  }
.LBB2_2:
0x14: {  	s17 =	sshll.u32 s16, $0x8  }
0x15: {  	s17 =	sadd.s32 s5, s17  }
0x16: {  	s20 =	sshrl.u32 s17, $0x3  }
0x17: {  	s18 =	simm.s32 $0x0;
	s19 =	simm.s32 $0x10000;
	s21 =	sadd.s32 s1, s20  }
0x18: {  	[tilespmem:s19], [sflag:$0x2] =	stream.linear.gather [hbm4b:s21+s18], $0x100, $0x38;
	[tilespmem:$0x18200] =	vst v63  }
0x19: {  	_ =	swait.ge [sflag:s12], $0x100  }
0x1a: {  	[sflag:s12] =	ssyncset.done $0x0  }
0x1b: {  	s31 =	sadd.s32 s2, s20;
	s20 =	simm.s32 $0x10100;
	[sflag:s12] =	ssyncadd.s32 $0xFFFFFF00  }
0x1c: {  	[tilespmem:s20], [sflag:$0x2] =	stream.linear.gather [hbm4b:s31+s18], $0x100, $0x38;
	[tilespmem:$0x18200] =	vst v63  }
0x1d: {  	_ =	swait.ge [sflag:s12], $0x100  }
0x1e: {  	[sflag:s12] =	ssyncset.done $0x0  }
0x1f: {  	[sflag:s12] =	ssyncadd.s32 $0xFFFFFF00  }
.LBB2_3:
0x20: {  	v1 =	vld [tilespmem:s19+$0x0]  }
0x21: {  	v2 =	vld [tilespmem:s20+$0x0];
	_ =	sdelay $0x4  }
0x22: {  	v1 =	vadd.f32 $1.000000000e+00, v1;
	v2 =	vadd.f32 $1.000000000e+00, v2;
	_ =	sdelay $0x1  }
0x23: {  	v1 =	vmul.f32 $5.000000000e-01, v1;
	v2 =	vmul.f32 $5.000000000e-01, v2;
	_ =	sdelay $0x1  }
0x24: {  	v1 =	vmul.f32 $6.300000000e+01, v1;
	v2 =	vmul.f32 $6.300000000e+01, v2;
	_ =	sdelay $0x1  }
0x25: {  	v1 =	vmax.f32 v1, $0.0e+00;
	v2 =	vmax.f32 v2, $0.0e+00  }
0x26: {  	v1 =	vmin.f32 v1, $6.300000000e+01;
	v2 =	vmin.f32 v2, $6.300000000e+01  }
0x27: {  	v3 =	vtrunc.f32 v1;
	v4 =	vtrunc.f32 v2  }
0x28: {  	v3 =	vcvt.f32.s32 v3;
	v4 =	vcvt.f32.s32 v4;
	_ =	sdelay $0x1  }
0x29: {  	vm0 =	vlt.s32 v3, $0x3E;
	vm1 =	vlt.s32 v4, $0x3E  }
0x2a: {  	v5 =	vnsel vm0, $0x3E, v3;
	v4 =	vnsel vm1, $0x3E, v4  }
0x2b: {  	v3 =	vshll.u32 v4, $0xA;
	v6 =	vshll.u32 v5, $0x4  }
0x2c: {  	v3 =	vadd.s32 v6, v3  }
0x2d: {  	v34 =	vadd.s32 $0x10, v3  }
0x2e: {  	v6 =	vand.u32 $0x70, v6;
	v7 =	vand.u32 $0xFFFFFF80, v3;
	v35 =	vadd.s32 $0x410, v3  }
0x2f: {  	v5 =	vcvt.s32.f32 v5;
	v4 =	vcvt.s32.f32 v4;
	v6 =	vor.u32 v6, v7;
	_ =	sdelay $0x1  }
0x30: {  	v5 =	vsub.f32 v1, v5;
	v2 =	vsub.f32 v2, v4;
	v8 =	vadd.s32 $0x400, v6  }
0x31: {  	v7 =	vld.idx.msk [tilespmem:v34+s4+$0x0], $0xffff  }
0x32: {  	v1 =	vmul.f32 v2, v5;
	v11 =	vld.idx.msk [tilespmem:v35+s4+$0x0], $0xffff  }
0x33: {  	v9 =	vld.idx.msk [tilespmem:v6+s4+$0x0], $0xffff  }
0x34: {  	v10 =	vsub.f32 $1.000000000e+00, v5;
	v2 =	vsub.f32 v2, v1  }
0x35: {  	v8 =	vld.idx.msk [tilespmem:v8+s4+$0x0], $0xffff  }
0x36: {  	v36 =	vmov s18;
	v4 =	vsub.f32 v5, v1;
	v5 =	vsub.f32 v10, v2  }
0x37: {  	v10 =	vshll.u32 v36, $0x7;
	v13 =	vshll.u32 v7, $0x10;
	v7 =	vand.u32 $0xFFFF0000, v7  }
0x38: {  	v15 =	vshll.u32 v11, $0x10;
	v11 =	vand.u32 $0xFFFF0000, v11;
	v12 =	vshll.u32 v9, $0x10  }
0x39: {  	v9 =	vand.u32 $0xFFFF0000, v9;
	v13 =	vmul.f32 v13, v4;
	v12 =	vmul.f32 v12, v5  }
0x3a: {  	v7 =	vmul.f32 v7, v4;
	v14 =	vshll.u32 v8, $0x10;
	v9 =	vmul.f32 v9, v5  }
0x3b: {  	v8 =	vand.u32 $0xFFFF0000, v8;
	v37 =	vmul.f32 v14, v2;
	v12 =	vadd.f32 v12, v13  }
0x3c: {  	v8 =	vmul.f32 v8, v2;
	v9 =	vadd.f32 v9, v7;
	v7 =	vor.u32 v0, v10  }
0x3d: {  	v39 =	vmul.f32 v15, v1;
	v40 =	vor.u32 $0x1, v7;
	v38 =	vadd.f32 v12, v37  }
0x3e: {  	v42 =	vor.u32 $0x1, v6;
	v41 =	vmul.f32 v11, v1;
	v8 =	vadd.f32 v9, v8  }
0x3f: {  	v43 =	vadd.s32 $0x11, v3;
	v10 =	vadd.f32 v38, v39  }
0x40: {  	v8 =	vadd.f32 v8, v41  }
0x41: {  	v44 =	vadd.s32 $0x401, v3;
	[tilespmem:v7+s14+$0x0] =	vst.idx.msk $0xffff, v10  }
0x42: {  	[tilespmem:v40+s14+$0x0] =	vst.idx.msk $0xffff, v8  }
0x43: {  	v45 =	vadd.s32 $0x411, v3;
	v10 =	vld.idx.msk [tilespmem:v42+s4+$0x0], $0xffff  }
0x44: {  	v46 =	vld.idx.msk [tilespmem:v43+s4+$0x0], $0xffff;
	_ =	sdelay $0x1  }
0x45: {  	v9 =	vld.idx.msk [tilespmem:v44+s4+$0x0], $0xffff;
	_ =	sdelay $0x1  }
0x46: {  	v52 =	vor.u32 $0x2, v7;
	v54 =	vor.u32 $0x3, v7;
	v8 =	vld.idx.msk [tilespmem:v45+s4+$0x0], $0xffff  }
0x47: {  	v47 =	vshll.u32 v10, $0x10;
	v10 =	vand.u32 $0xFFFF0000, v10;
	v48 =	vshll.u32 v46, $0x10  }
0x48: {  	v11 =	vand.u32 $0xFFFF0000, v46;
	v12 =	vmul.f32 v47, v5;
	v13 =	vmul.f32 v48, v4  }
0x49: {  	v49 =	vshll.u32 v9, $0x10;
	v10 =	vmul.f32 v10, v5;
	v11 =	vmul.f32 v11, v4  }
0x4a: {  	v9 =	vand.u32 $0xFFFF0000, v9;
	v51 =	vmul.f32 v49, v2;
	v12 =	vadd.f32 v12, v13  }
0x4b: {  	v50 =	vshll.u32 v8, $0x10;
	v9 =	vmul.f32 v9, v2;
	v10 =	vadd.f32 v10, v11  }
0x4c: {  	v8 =	vand.u32 $0xFFFF0000, v8;
	v53 =	vmul.f32 v50, v1;
	v12 =	vadd.f32 v12, v51  }
0x4d: {  	v55 =	vor.u32 $0x2, v6;
	v8 =	vmul.f32 v8, v1;
	v9 =	vadd.f32 v10, v9  }
0x4e: {  	v56 =	vadd.s32 $0x12, v3;
	v12 =	vadd.f32 v12, v53  }
0x4f: {  	v8 =	vadd.f32 v9, v8  }
0x50: {  	v57 =	vadd.s32 $0x402, v3;
	[tilespmem:v52+s14+$0x0] =	vst.idx.msk $0xffff, v12  }
0x51: {  	[tilespmem:v54+s14+$0x0] =	vst.idx.msk $0xffff, v8  }
0x52: {  	v58 =	vadd.s32 $0x412, v3;
	v10 =	vld.idx.msk [tilespmem:v55+s4+$0x0], $0xffff  }
0x53: {  	v11 =	vld.idx.msk [tilespmem:v56+s4+$0x0], $0xffff;
	_ =	sdelay $0x1  }
0x54: {  	v9 =	vld.idx.msk [tilespmem:v57+s4+$0x0], $0xffff;
	_ =	sdelay $0x1  }
0x55: {  	v63 =	vor.u32 $0x4, v7;
	v17 =	vor.u32 $0x5, v7;
	v8 =	vld.idx.msk [tilespmem:v58+s4+$0x0], $0xffff  }
0x56: {  	v59 =	vshll.u32 v10, $0x10;
	v10 =	vand.u32 $0xFFFF0000, v10;
	v13 =	vshll.u32 v11, $0x10  }
0x57: {  	v11 =	vand.u32 $0xFFFF0000, v11;
	v12 =	vmul.f32 v59, v5;
	v13 =	vmul.f32 v13, v4  }
0x58: {  	v60 =	vshll.u32 v9, $0x10;
	v10 =	vmul.f32 v10, v5;
	v11 =	vmul.f32 v11, v4  }
0x59: {  	v9 =	vand.u32 $0xFFFF0000, v9;
	v62 =	vmul.f32 v60, v2;
	v12 =	vadd.f32 v13, v12  }
0x5a: {  	v61 =	vshll.u32 v8, $0x10;
	v9 =	vmul.f32 v9, v2;
	v10 =	vadd.f32 v11, v10  }
0x5b: {  	v8 =	vand.u32 $0xFFFF0000, v8;
	v16 =	vmul.f32 v61, v1;
	v12 =	vadd.f32 v62, v12  }
0x5c: {  	v18 =	vor.u32 $0x3, v6;
	v8 =	vmul.f32 v8, v1;
	v9 =	vadd.f32 v9, v10  }
0x5d: {  	v19 =	vadd.s32 $0x13, v3;
	v12 =	vadd.f32 v16, v12  }
0x5e: {  	v8 =	vadd.f32 v8, v9  }
0x5f: {  	v20 =	vadd.s32 $0x403, v3;
	[tilespmem:v63+s14+$0x0] =	vst.idx.msk $0xffff, v12  }
0x60: {  	[tilespmem:v17+s14+$0x0] =	vst.idx.msk $0xffff, v8  }
0x61: {  	v21 =	vadd.s32 $0x413, v3;
	v10 =	vld.idx.msk [tilespmem:v18+s4+$0x0], $0xffff  }
0x62: {  	v11 =	vld.idx.msk [tilespmem:v19+s4+$0x0], $0xffff;
	_ =	sdelay $0x1  }
0x63: {  	v9 =	vld.idx.msk [tilespmem:v20+s4+$0x0], $0xffff;
	_ =	sdelay $0x1  }
0x64: {  	v26 =	vor.u32 $0x6, v7;
	v28 =	vor.u32 $0x7, v7;
	v8 =	vld.idx.msk [tilespmem:v21+s4+$0x0], $0xffff  }
0x65: {  	v22 =	vshll.u32 v10, $0x10;
	v10 =	vand.u32 $0xFFFF0000, v10;
	v13 =	vshll.u32 v11, $0x10  }
0x66: {  	v11 =	vand.u32 $0xFFFF0000, v11;
	v12 =	vmul.f32 v22, v5;
	v13 =	vmul.f32 v13, v4  }
0x67: {  	v23 =	vshll.u32 v9, $0x10;
	v10 =	vmul.f32 v10, v5;
	v11 =	vmul.f32 v11, v4  }
0x68: {  	v9 =	vand.u32 $0xFFFF0000, v9;
	v25 =	vmul.f32 v23, v2;
	v12 =	vadd.f32 v13, v12  }
0x69: {  	v24 =	vshll.u32 v8, $0x10;
	v9 =	vmul.f32 v9, v2;
	v10 =	vadd.f32 v11, v10  }
0x6a: {  	v8 =	vand.u32 $0xFFFF0000, v8;
	v27 =	vmul.f32 v24, v1;
	v12 =	vadd.f32 v25, v12  }
0x6b: {  	v29 =	vor.u32 $0x4, v6;
	v8 =	vmul.f32 v8, v1;
	v9 =	vadd.f32 v9, v10  }
0x6c: {  	v30 =	vadd.s32 $0x14, v3;
	v12 =	vadd.f32 v27, v12  }
0x6d: {  	v8 =	vadd.f32 v8, v9  }
0x6e: {  	v31 =	vadd.s32 $0x404, v3;
	[tilespmem:v26+s14+$0x0] =	vst.idx.msk $0xffff, v12  }
0x6f: {  	[tilespmem:v28+s14+$0x0] =	vst.idx.msk $0xffff, v8  }
0x70: {  	v32 =	vadd.s32 $0x414, v3;
	v10 =	vld.idx.msk [tilespmem:v29+s4+$0x0], $0xffff  }
0x71: {  	v11 =	vld.idx.msk [tilespmem:v30+s4+$0x0], $0xffff;
	_ =	sdelay $0x1  }
0x72: {  	v9 =	vld.idx.msk [tilespmem:v31+s4+$0x0], $0xffff;
	_ =	sdelay $0x1  }
0x73: {  	v37 =	vor.u32 $0x8, v7;
	v39 =	vor.u32 $0x9, v7;
	v8 =	vld.idx.msk [tilespmem:v32+s4+$0x0], $0xffff  }
0x74: {  	v33 =	vshll.u32 v10, $0x10;
	v10 =	vand.u32 $0xFFFF0000, v10;
	v13 =	vshll.u32 v11, $0x10  }
0x75: {  	v11 =	vand.u32 $0xFFFF0000, v11;
	v12 =	vmul.f32 v33, v5;
	v13 =	vmul.f32 v13, v4  }
0x76: {  	v34 =	vshll.u32 v9, $0x10;
	v10 =	vmul.f32 v10, v5;
	v11 =	vmul.f32 v11, v4  }
0x77: {  	v9 =	vand.u32 $0xFFFF0000, v9;
	v36 =	vmul.f32 v34, v2;
	v12 =	vadd.f32 v13, v12  }
0x78: {  	v35 =	vshll.u32 v8, $0x10;
	v9 =	vmul.f32 v9, v2;
	v10 =	vadd.f32 v11, v10  }
0x79: {  	v8 =	vand.u32 $0xFFFF0000, v8;
	v38 =	vmul.f32 v35, v1;
	v12 =	vadd.f32 v36, v12  }
0x7a: {  	v40 =	vor.u32 $0x5, v6;
	v8 =	vmul.f32 v8, v1;
	v9 =	vadd.f32 v9, v10  }
0x7b: {  	v41 =	vadd.s32 $0x15, v3;
	v12 =	vadd.f32 v38, v12  }
0x7c: {  	v8 =	vadd.f32 v8, v9  }
0x7d: {  	v42 =	vadd.s32 $0x405, v3;
	[tilespmem:v37+s14+$0x0] =	vst.idx.msk $0xffff, v12  }
0x7e: {  	[tilespmem:v39+s14+$0x0] =	vst.idx.msk $0xffff, v8  }
0x7f: {  	v43 =	vadd.s32 $0x415, v3;
	v10 =	vld.idx.msk [tilespmem:v40+s4+$0x0], $0xffff  }
0x80: {  	v11 =	vld.idx.msk [tilespmem:v41+s4+$0x0], $0xffff;
	_ =	sdelay $0x1  }
0x81: {  	v9 =	vld.idx.msk [tilespmem:v42+s4+$0x0], $0xffff;
	_ =	sdelay $0x1  }
0x82: {  	v48 =	vor.u32 $0xA, v7;
	v50 =	vor.u32 $0xB, v7;
	v8 =	vld.idx.msk [tilespmem:v43+s4+$0x0], $0xffff  }
0x83: {  	v44 =	vshll.u32 v10, $0x10;
	v10 =	vand.u32 $0xFFFF0000, v10;
	v13 =	vshll.u32 v11, $0x10  }
0x84: {  	v11 =	vand.u32 $0xFFFF0000, v11;
	v12 =	vmul.f32 v44, v5;
	v13 =	vmul.f32 v13, v4  }
0x85: {  	v45 =	vshll.u32 v9, $0x10;
	v10 =	vmul.f32 v10, v5;
	v11 =	vmul.f32 v11, v4  }
0x86: {  	v9 =	vand.u32 $0xFFFF0000, v9;
	v47 =	vmul.f32 v45, v2;
	v12 =	vadd.f32 v13, v12  }
0x87: {  	v46 =	vshll.u32 v8, $0x10;
	v9 =	vmul.f32 v9, v2;
	v10 =	vadd.f32 v11, v10  }
0x88: {  	v8 =	vand.u32 $0xFFFF0000, v8;
	v49 =	vmul.f32 v46, v1;
	v12 =	vadd.f32 v47, v12  }
0x89: {  	v51 =	vor.u32 $0x6, v6;
	v8 =	vmul.f32 v8, v1;
	v9 =	vadd.f32 v9, v10  }
0x8a: {  	v52 =	vadd.s32 $0x16, v3;
	v12 =	vadd.f32 v49, v12  }
0x8b: {  	v8 =	vadd.f32 v8, v9  }
0x8c: {  	v53 =	vadd.s32 $0x406, v3;
	[tilespmem:v48+s14+$0x0] =	vst.idx.msk $0xffff, v12  }
0x8d: {  	[tilespmem:v50+s14+$0x0] =	vst.idx.msk $0xffff, v8  }
0x8e: {  	v54 =	vadd.s32 $0x416, v3;
	v10 =	vld.idx.msk [tilespmem:v51+s4+$0x0], $0xffff  }
0x8f: {  	v11 =	vld.idx.msk [tilespmem:v52+s4+$0x0], $0xffff;
	_ =	sdelay $0x1  }
0x90: {  	v9 =	vld.idx.msk [tilespmem:v53+s4+$0x0], $0xffff;
	_ =	sdelay $0x1  }
0x91: {  	v59 =	vor.u32 $0xC, v7;
	v61 =	vor.u32 $0xD, v7;
	v8 =	vld.idx.msk [tilespmem:v54+s4+$0x0], $0xffff  }
0x92: {  	v55 =	vshll.u32 v10, $0x10;
	v10 =	vand.u32 $0xFFFF0000, v10;
	v13 =	vshll.u32 v11, $0x10  }
0x93: {  	v11 =	vand.u32 $0xFFFF0000, v11;
	v12 =	vmul.f32 v55, v5;
	v13 =	vmul.f32 v13, v4  }
0x94: {  	v56 =	vshll.u32 v9, $0x10;
	v10 =	vmul.f32 v10, v5;
	v11 =	vmul.f32 v11, v4  }
0x95: {  	v9 =	vand.u32 $0xFFFF0000, v9;
	v58 =	vmul.f32 v56, v2;
	v12 =	vadd.f32 v13, v12  }
0x96: {  	v57 =	vshll.u32 v8, $0x10;
	v9 =	vmul.f32 v9, v2;
	v10 =	vadd.f32 v11, v10  }
0x97: {  	v8 =	vand.u32 $0xFFFF0000, v8;
	v60 =	vmul.f32 v57, v1;
	v12 =	vadd.f32 v58, v12  }
0x98: {  	v62 =	vor.u32 $0x7, v6;
	v8 =	vmul.f32 v8, v1;
	v9 =	vadd.f32 v9, v10  }
0x99: {  	v63 =	vadd.s32 $0x17, v3;
	v12 =	vadd.f32 v60, v12  }
0x9a: {  	v8 =	vadd.f32 v8, v9  }
0x9b: {  	v15 =	vadd.s32 $0x407, v3;
	[tilespmem:v59+s14+$0x0] =	vst.idx.msk $0xffff, v12  }
0x9c: {  	[tilespmem:v61+s14+$0x0] =	vst.idx.msk $0xffff, v8  }
0x9d: {  	v16 =	vadd.s32 $0x417, v3;
	v10 =	vld.idx.msk [tilespmem:v62+s4+$0x0], $0xffff  }
0x9e: {  	v11 =	vld.idx.msk [tilespmem:v63+s4+$0x0], $0xffff;
	_ =	sdelay $0x1  }
0x9f: {  	v9 =	vld.idx.msk [tilespmem:v15+s4+$0x0], $0xffff;
	_ =	sdelay $0x1  }
0xa0: {  	v21 =	vor.u32 $0xE, v7;
	v23 =	vor.u32 $0xF, v7;
	v8 =	vld.idx.msk [tilespmem:v16+s4+$0x0], $0xffff  }
0xa1: {  	v17 =	vshll.u32 v10, $0x10;
	v10 =	vand.u32 $0xFFFF0000, v10;
	v13 =	vshll.u32 v11, $0x10  }
0xa2: {  	v11 =	vand.u32 $0xFFFF0000, v11;
	v12 =	vmul.f32 v17, v5;
	v13 =	vmul.f32 v13, v4  }
0xa3: {  	v18 =	vshll.u32 v9, $0x10;
	v10 =	vmul.f32 v10, v5;
	v11 =	vmul.f32 v11, v4  }
0xa4: {  	v9 =	vand.u32 $0xFFFF0000, v9;
	v20 =	vmul.f32 v18, v2;
	v12 =	vadd.f32 v13, v12  }
0xa5: {  	v19 =	vshll.u32 v8, $0x10;
	v9 =	vmul.f32 v9, v2;
	v10 =	vadd.f32 v11, v10  }
0xa6: {  	v8 =	vand.u32 $0xFFFF0000, v8;
	v22 =	vmul.f32 v19, v1;
	v12 =	vadd.f32 v20, v12  }
0xa7: {  	v24 =	vor.u32 $0x8, v6;
	v8 =	vmul.f32 v8, v1;
	v9 =	vadd.f32 v9, v10  }
0xa8: {  	v25 =	vadd.s32 $0x18, v3;
	v12 =	vadd.f32 v22, v12  }
0xa9: {  	v8 =	vadd.f32 v8, v9  }
0xaa: {  	v26 =	vadd.s32 $0x408, v3;
	[tilespmem:v21+s14+$0x0] =	vst.idx.msk $0xffff, v12  }
0xab: {  	[tilespmem:v23+s14+$0x0] =	vst.idx.msk $0xffff, v8  }
0xac: {  	v27 =	vadd.s32 $0x418, v3;
	v10 =	vld.idx.msk [tilespmem:v24+s4+$0x0], $0xffff  }
0xad: {  	v11 =	vld.idx.msk [tilespmem:v25+s4+$0x0], $0xffff;
	_ =	sdelay $0x1  }
0xae: {  	v9 =	vld.idx.msk [tilespmem:v26+s4+$0x0], $0xffff;
	_ =	sdelay $0x1  }
0xaf: {  	v32 =	vor.u32 $0x10, v7;
	v34 =	vor.u32 $0x11, v7;
	v8 =	vld.idx.msk [tilespmem:v27+s4+$0x0], $0xffff  }
0xb0: {  	v28 =	vshll.u32 v10, $0x10;
	v10 =	vand.u32 $0xFFFF0000, v10;
	v13 =	vshll.u32 v11, $0x10  }
0xb1: {  	v11 =	vand.u32 $0xFFFF0000, v11;
	v12 =	vmul.f32 v28, v5;
	v13 =	vmul.f32 v13, v4  }
0xb2: {  	v29 =	vshll.u32 v9, $0x10;
	v10 =	vmul.f32 v10, v5;
	v11 =	vmul.f32 v11, v4  }
0xb3: {  	v9 =	vand.u32 $0xFFFF0000, v9;
	v31 =	vmul.f32 v29, v2;
	v12 =	vadd.f32 v13, v12  }
0xb4: {  	v30 =	vshll.u32 v8, $0x10;
	v9 =	vmul.f32 v9, v2;
	v10 =	vadd.f32 v11, v10  }
0xb5: {  	v8 =	vand.u32 $0xFFFF0000, v8;
	v33 =	vmul.f32 v30, v1;
	v12 =	vadd.f32 v31, v12  }
0xb6: {  	v35 =	vor.u32 $0x9, v6;
	v8 =	vmul.f32 v8, v1;
	v9 =	vadd.f32 v9, v10  }
0xb7: {  	v36 =	vadd.s32 $0x19, v3;
	v12 =	vadd.f32 v33, v12  }
0xb8: {  	v8 =	vadd.f32 v8, v9  }
0xb9: {  	v37 =	vadd.s32 $0x409, v3;
	[tilespmem:v32+s14+$0x0] =	vst.idx.msk $0xffff, v12  }
0xba: {  	[tilespmem:v34+s14+$0x0] =	vst.idx.msk $0xffff, v8  }
0xbb: {  	v38 =	vadd.s32 $0x419, v3;
	v10 =	vld.idx.msk [tilespmem:v35+s4+$0x0], $0xffff  }
0xbc: {  	v11 =	vld.idx.msk [tilespmem:v36+s4+$0x0], $0xffff;
	_ =	sdelay $0x1  }
0xbd: {  	v9 =	vld.idx.msk [tilespmem:v37+s4+$0x0], $0xffff;
	_ =	sdelay $0x1  }
0xbe: {  	v43 =	vor.u32 $0x12, v7;
	v45 =	vor.u32 $0x13, v7;
	v8 =	vld.idx.msk [tilespmem:v38+s4+$0x0], $0xffff  }
0xbf: {  	v39 =	vshll.u32 v10, $0x10;
	v10 =	vand.u32 $0xFFFF0000, v10;
	v13 =	vshll.u32 v11, $0x10  }
0xc0: {  	v11 =	vand.u32 $0xFFFF0000, v11;
	v12 =	vmul.f32 v39, v5;
	v13 =	vmul.f32 v13, v4  }
0xc1: {  	v40 =	vshll.u32 v9, $0x10;
	v10 =	vmul.f32 v10, v5;
	v11 =	vmul.f32 v11, v4  }
0xc2: {  	v9 =	vand.u32 $0xFFFF0000, v9;
	v42 =	vmul.f32 v40, v2;
	v12 =	vadd.f32 v13, v12  }
0xc3: {  	v41 =	vshll.u32 v8, $0x10;
	v9 =	vmul.f32 v9, v2;
	v10 =	vadd.f32 v11, v10  }
0xc4: {  	v8 =	vand.u32 $0xFFFF0000, v8;
	v44 =	vmul.f32 v41, v1;
	v12 =	vadd.f32 v42, v12  }
0xc5: {  	v46 =	vor.u32 $0xA, v6;
	v8 =	vmul.f32 v8, v1;
	v9 =	vadd.f32 v9, v10  }
0xc6: {  	v47 =	vadd.s32 $0x1A, v3;
	v12 =	vadd.f32 v44, v12  }
0xc7: {  	v8 =	vadd.f32 v8, v9  }
0xc8: {  	v48 =	vadd.s32 $0x40A, v3;
	[tilespmem:v43+s14+$0x0] =	vst.idx.msk $0xffff, v12  }
0xc9: {  	[tilespmem:v45+s14+$0x0] =	vst.idx.msk $0xffff, v8  }
0xca: {  	v49 =	vadd.s32 $0x41A, v3;
	v10 =	vld.idx.msk [tilespmem:v46+s4+$0x0], $0xffff  }
0xcb: {  	v11 =	vld.idx.msk [tilespmem:v47+s4+$0x0], $0xffff;
	_ =	sdelay $0x1  }
0xcc: {  	v9 =	vld.idx.msk [tilespmem:v48+s4+$0x0], $0xffff;
	_ =	sdelay $0x1  }
0xcd: {  	v54 =	vor.u32 $0x14, v7;
	v56 =	vor.u32 $0x15, v7;
	v8 =	vld.idx.msk [tilespmem:v49+s4+$0x0], $0xffff  }
0xce: {  	v50 =	vshll.u32 v10, $0x10;
	v10 =	vand.u32 $0xFFFF0000, v10;
	v13 =	vshll.u32 v11, $0x10  }
0xcf: {  	v11 =	vand.u32 $0xFFFF0000, v11;
	v12 =	vmul.f32 v50, v5;
	v13 =	vmul.f32 v13, v4  }
0xd0: {  	v51 =	vshll.u32 v9, $0x10;
	v10 =	vmul.f32 v10, v5;
	v11 =	vmul.f32 v11, v4  }
0xd1: {  	v9 =	vand.u32 $0xFFFF0000, v9;
	v53 =	vmul.f32 v51, v2;
	v12 =	vadd.f32 v13, v12  }
0xd2: {  	v52 =	vshll.u32 v8, $0x10;
	v9 =	vmul.f32 v9, v2;
	v10 =	vadd.f32 v11, v10  }
0xd3: {  	v8 =	vand.u32 $0xFFFF0000, v8;
	v55 =	vmul.f32 v52, v1;
	v12 =	vadd.f32 v53, v12  }
0xd4: {  	v57 =	vor.u32 $0xB, v6;
	v8 =	vmul.f32 v8, v1;
	v9 =	vadd.f32 v9, v10  }
0xd5: {  	v58 =	vadd.s32 $0x1B, v3;
	v12 =	vadd.f32 v55, v12  }
0xd6: {  	v8 =	vadd.f32 v8, v9  }
0xd7: {  	v59 =	vadd.s32 $0x40B, v3;
	[tilespmem:v54+s14+$0x0] =	vst.idx.msk $0xffff, v12  }
0xd8: {  	[tilespmem:v56+s14+$0x0] =	vst.idx.msk $0xffff, v8  }
0xd9: {  	v60 =	vadd.s32 $0x41B, v3;
	v10 =	vld.idx.msk [tilespmem:v57+s4+$0x0], $0xffff  }
0xda: {  	v11 =	vld.idx.msk [tilespmem:v58+s4+$0x0], $0xffff;
	_ =	sdelay $0x1  }
0xdb: {  	v9 =	vld.idx.msk [tilespmem:v59+s4+$0x0], $0xffff;
	_ =	sdelay $0x1  }
0xdc: {  	v17 =	vor.u32 $0x16, v7;
	v19 =	vor.u32 $0x17, v7;
	v8 =	vld.idx.msk [tilespmem:v60+s4+$0x0], $0xffff  }
0xdd: {  	v61 =	vshll.u32 v10, $0x10;
	v10 =	vand.u32 $0xFFFF0000, v10;
	v13 =	vshll.u32 v11, $0x10  }
0xde: {  	v11 =	vand.u32 $0xFFFF0000, v11;
	v12 =	vmul.f32 v61, v5;
	v13 =	vmul.f32 v13, v4  }
0xdf: {  	v62 =	vshll.u32 v9, $0x10;
	v10 =	vmul.f32 v10, v5;
	v11 =	vmul.f32 v11, v4  }
0xe0: {  	v9 =	vand.u32 $0xFFFF0000, v9;
	v16 =	vmul.f32 v62, v2;
	v12 =	vadd.f32 v13, v12  }
0xe1: {  	v63 =	vshll.u32 v8, $0x10;
	v9 =	vmul.f32 v9, v2;
	v10 =	vadd.f32 v11, v10  }
0xe2: {  	v8 =	vand.u32 $0xFFFF0000, v8;
	v18 =	vmul.f32 v63, v1;
	v12 =	vadd.f32 v16, v12  }
0xe3: {  	v20 =	vor.u32 $0xC, v6;
	v8 =	vmul.f32 v8, v1;
	v9 =	vadd.f32 v9, v10  }
0xe4: {  	v21 =	vadd.s32 $0x1C, v3;
	v12 =	vadd.f32 v18, v12  }
0xe5: {  	v8 =	vadd.f32 v8, v9  }
0xe6: {  	v22 =	vadd.s32 $0x40C, v3;
	[tilespmem:v17+s14+$0x0] =	vst.idx.msk $0xffff, v12  }
0xe7: {  	[tilespmem:v19+s14+$0x0] =	vst.idx.msk $0xffff, v8  }
0xe8: {  	v23 =	vadd.s32 $0x41C, v3;
	v10 =	vld.idx.msk [tilespmem:v20+s4+$0x0], $0xffff  }
0xe9: {  	v11 =	vld.idx.msk [tilespmem:v21+s4+$0x0], $0xffff;
	_ =	sdelay $0x1  }
0xea: {  	v9 =	vld.idx.msk [tilespmem:v22+s4+$0x0], $0xffff;
	_ =	sdelay $0x1  }
0xeb: {  	v28 =	vor.u32 $0x18, v7;
	v30 =	vor.u32 $0x19, v7;
	v8 =	vld.idx.msk [tilespmem:v23+s4+$0x0], $0xffff  }
0xec: {  	v24 =	vshll.u32 v10, $0x10;
	v10 =	vand.u32 $0xFFFF0000, v10;
	v13 =	vshll.u32 v11, $0x10  }
0xed: {  	v11 =	vand.u32 $0xFFFF0000, v11;
	v12 =	vmul.f32 v24, v5;
	v13 =	vmul.f32 v13, v4  }
0xee: {  	v25 =	vshll.u32 v9, $0x10;
	v10 =	vmul.f32 v10, v5;
	v11 =	vmul.f32 v11, v4  }
0xef: {  	v9 =	vand.u32 $0xFFFF0000, v9;
	v27 =	vmul.f32 v25, v2;
	v12 =	vadd.f32 v13, v12  }
0xf0: {  	v26 =	vshll.u32 v8, $0x10;
	v9 =	vmul.f32 v9, v2;
	v10 =	vadd.f32 v11, v10  }
0xf1: {  	v8 =	vand.u32 $0xFFFF0000, v8;
	v29 =	vmul.f32 v26, v1;
	v12 =	vadd.f32 v27, v12  }
0xf2: {  	v31 =	vor.u32 $0xD, v6;
	v8 =	vmul.f32 v8, v1;
	v9 =	vadd.f32 v9, v10  }
0xf3: {  	v32 =	vadd.s32 $0x1D, v3;
	v12 =	vadd.f32 v29, v12  }
0xf4: {  	v8 =	vadd.f32 v8, v9  }
0xf5: {  	v33 =	vadd.s32 $0x40D, v3;
	[tilespmem:v28+s14+$0x0] =	vst.idx.msk $0xffff, v12  }
0xf6: {  	[tilespmem:v30+s14+$0x0] =	vst.idx.msk $0xffff, v8  }
0xf7: {  	v34 =	vadd.s32 $0x41D, v3;
	v10 =	vld.idx.msk [tilespmem:v31+s4+$0x0], $0xffff  }
0xf8: {  	v11 =	vld.idx.msk [tilespmem:v32+s4+$0x0], $0xffff;
	_ =	sdelay $0x1  }
0xf9: {  	v9 =	vld.idx.msk [tilespmem:v33+s4+$0x0], $0xffff;
	_ =	sdelay $0x1  }
0xfa: {  	v39 =	vor.u32 $0x1A, v7;
	v41 =	vor.u32 $0x1B, v7;
	v8 =	vld.idx.msk [tilespmem:v34+s4+$0x0], $0xffff  }
0xfb: {  	v35 =	vshll.u32 v10, $0x10;
	v10 =	vand.u32 $0xFFFF0000, v10;
	v13 =	vshll.u32 v11, $0x10  }
0xfc: {  	v11 =	vand.u32 $0xFFFF0000, v11;
	v12 =	vmul.f32 v35, v5;
	v13 =	vmul.f32 v13, v4  }
0xfd: {  	v36 =	vshll.u32 v9, $0x10;
	v10 =	vmul.f32 v10, v5;
	v11 =	vmul.f32 v11, v4  }
0xfe: {  	v9 =	vand.u32 $0xFFFF0000, v9;
	v38 =	vmul.f32 v36, v2;
	v12 =	vadd.f32 v13, v12  }
0xff: {  	v37 =	vshll.u32 v8, $0x10;
	v9 =	vmul.f32 v9, v2;
	v10 =	vadd.f32 v11, v10  }
0x100: {  	v8 =	vand.u32 $0xFFFF0000, v8;
	v40 =	vmul.f32 v37, v1;
	v12 =	vadd.f32 v38, v12  }
0x101: {  	v42 =	vor.u32 $0xE, v6;
	v8 =	vmul.f32 v8, v1;
	v9 =	vadd.f32 v9, v10  }
0x102: {  	v43 =	vadd.s32 $0x1E, v3;
	v12 =	vadd.f32 v40, v12  }
0x103: {  	v8 =	vadd.f32 v8, v9  }
0x104: {  	v44 =	vadd.s32 $0x40E, v3;
	[tilespmem:v39+s14+$0x0] =	vst.idx.msk $0xffff, v12  }
0x105: {  	[tilespmem:v41+s14+$0x0] =	vst.idx.msk $0xffff, v8  }
0x106: {  	v45 =	vadd.s32 $0x41E, v3;
	v10 =	vld.idx.msk [tilespmem:v42+s4+$0x0], $0xffff  }
0x107: {  	v11 =	vld.idx.msk [tilespmem:v43+s4+$0x0], $0xffff;
	_ =	sdelay $0x1  }
0x108: {  	v9 =	vld.idx.msk [tilespmem:v44+s4+$0x0], $0xffff;
	_ =	sdelay $0x1  }
0x109: {  	v50 =	vor.u32 $0x1C, v7;
	v52 =	vor.u32 $0x1D, v7;
	v8 =	vld.idx.msk [tilespmem:v45+s4+$0x0], $0xffff  }
0x10a: {  	v46 =	vshll.u32 v10, $0x10;
	v10 =	vand.u32 $0xFFFF0000, v10;
	v13 =	vshll.u32 v11, $0x10  }
0x10b: {  	v11 =	vand.u32 $0xFFFF0000, v11;
	v12 =	vmul.f32 v46, v5;
	v13 =	vmul.f32 v13, v4  }
0x10c: {  	v47 =	vshll.u32 v9, $0x10;
	v10 =	vmul.f32 v10, v5;
	v11 =	vmul.f32 v11, v4  }
0x10d: {  	v9 =	vand.u32 $0xFFFF0000, v9;
	v49 =	vmul.f32 v47, v2;
	v12 =	vadd.f32 v13, v12  }
0x10e: {  	v48 =	vshll.u32 v8, $0x10;
	v9 =	vmul.f32 v9, v2;
	v10 =	vadd.f32 v11, v10  }
0x10f: {  	v8 =	vand.u32 $0xFFFF0000, v8;
	v51 =	vmul.f32 v48, v1;
	v12 =	vadd.f32 v49, v12  }
0x110: {  	v6 =	vor.u32 $0xF, v6;
	v8 =	vmul.f32 v8, v1;
	v9 =	vadd.f32 v9, v10  }
0x111: {  	v54 =	vadd.s32 $0x1F, v3;
	v53 =	vadd.f32 v51, v12  }
0x112: {  	v8 =	vadd.f32 v8, v9  }
0x113: {  	v55 =	vadd.s32 $0x40F, v3;
	[tilespmem:v50+s14+$0x0] =	vst.idx.msk $0xffff, v53  }
0x114: {  	[tilespmem:v52+s14+$0x0] =	vst.idx.msk $0xffff, v8  }
0x115: {  	v3 =	vadd.s32 $0x41F, v3;
	v6 =	vld.idx.msk [tilespmem:v6+s4+$0x0], $0xffff  }
0x116: {  	v8 =	vld.idx.msk [tilespmem:v54+s4+$0x0], $0xffff;
	_ =	sdelay $0x1  }
0x117: {  	v9 =	vld.idx.msk [tilespmem:v55+s4+$0x0], $0xffff;
	_ =	sdelay $0x1  }
0x118: {  	v62 =	vor.u32 $0x1E, v7;
	v7 =	vor.u32 $0x1F, v7;
	v3 =	vld.idx.msk [tilespmem:v3+s4+$0x0], $0xffff  }
0x119: {  	v56 =	vshll.u32 v6, $0x10;
	v6 =	vand.u32 $0xFFFF0000, v6;
	v57 =	vshll.u32 v8, $0x10  }
0x11a: {  	v8 =	vand.u32 $0xFFFF0000, v8;
	v10 =	vmul.f32 v56, v5;
	v11 =	vmul.f32 v57, v4  }
0x11b: {  	v58 =	vshll.u32 v9, $0x10;
	v5 =	vmul.f32 v6, v5;
	v4 =	vmul.f32 v8, v4  }
0x11c: {  	v9 =	vand.u32 $0xFFFF0000, v9;
	v61 =	vmul.f32 v58, v2;
	v60 =	vadd.f32 v11, v10  }
0x11d: {  	v59 =	vshll.u32 v3, $0x10;
	v2 =	vmul.f32 v9, v2;
	v4 =	vadd.f32 v4, v5  }
0x11e: {  	p0 =	sne.s32 s18, $0xF0;
	v3 =	vand.u32 $0xFFFF0000, v3;
	v63 =	vmul.f32 v59, v1;
	v6 =	vadd.f32 v61, v60  }
.Ltmp0:
0x11f: {  	v1 =	vmul.f32 v3, v1;
	v2 =	vadd.f32 v2, v4;
	(pc) =	sbr.rel @p0 .LBB2_3-.Ltmp0, $4  }
0x120: {  	v3 =	vadd.f32 v63, v6  }
0x121: {  	v1 =	vadd.f32 v1, v2  }
0x122: {  	[tilespmem:v62+s14+$0x0] =	vst.idx.msk $0xffff, v3  }
0x123: {  	s19 =	sadd.s32 $0x10, s19;
	s20 =	sadd.s32 $0x10, s20;
	s18 =	sadd.s32 $0x10, s18;
	[tilespmem:v7+s14+$0x0] =	vst.idx.msk $0xffff, v1  }
0x124: {  	s16 =	sadd.s32 $0x1, s16  }
0x125: {  	s17 =	sshll.u32 s17, $0x4;
	p0 =	sne.s32 s16, $0x200  }
.Ltmp1:
0x126: {  	s17 =	sadd.s32 s17, s8;
	(pc) =	sbr.rel @p0 .LBB2_2-.Ltmp1, $4  }
0x127: {  	[hbm4b:s17+s4] =	stream.linear.scatter [tilespmem:s14], [sflag:s13], $0x8000, $0x38;
	[tilespmem:$0x18200] =	vst v63  }
0x128: {  	_ =	swait.ge [sflag:s13], $0x8000  }
0x129: {  	[sflag:s13] =	ssyncset.done $0x0  }
0x12a: {  	[sflag:s13] =	ssyncadd.s32 $0xFFFF8000  }
0x12b: {  	s15 =	sadd.s32 $0x1, s15  }
0x12c: {  	p0 =	sne.s32 s15, s7  }
.Ltmp2:
0x12d: {  	_ = 	snop;
	(pc) =	sbr.rel @p0 .LBB2_1-.Ltmp2, $1  }
0x12e: {  	_ =	sdelay $0x3  }
0x12f: {  	_ =	sfence.sel $0x180000  }
0x130: {  	[bflag:$0x0] =	sbarrier.arrive $0xFFFF  }
0x131: {  	p0 =	sne.s32 s3, $0x0;
	_ =	strace $0x90000047  }
0x132: {  	s0 =	sadd.s32 @!p0 $0x100000, s0;
	[bflag:$0x2] =	sbarrier.arrive $0xFFFF  }
0x133: {  	[sflag:s0] =	ssyncadd.tile.s32 @!p0 $0x1;
	_ =	shalt  }
.Lfunc_end2:
_tile_overlayer_lowered:
.L_overlay_start_2:
0x134: {  	(tag) =	ssettag $0x2  }
0x135: {  	s0 =	rddreg [dreg:$0x0];
	s2 =	stileid.u32  }
0x136: {  	s1 =	rddreg [dreg:$0x1];
	p0 =	sne.s32 s2, $0x0  }
0x137: {  	s3 =	rddreg [dreg:$0x2];
	[bflag:$0x3] =	sbarrier.arrive $0xFFFF;
	s2 =	simm.s32 @!p0 $0x1C01  }
0x138: {  	[timem:s3], [sflag:s2] =	dma.local @!p0 [hbm:s0], s1  }
0x139: {  	s0 =	simm.s32 @!p0 $0x1  }
0x13a: {  	_ =	swait.ge @!p0 [sflag:s0], s1  }
0x13b: {  	s1 =	ssub.s32 @!p0 $0x0, s1;
	[sflag:s0] =	ssyncset.done @!p0 $0x0  }
0x13c: {  	[sflag:s0] =	ssyncadd.s32 @!p0 s1  }
0x13d: {  	[bflag:$0x3] =	sbarrier.arrive $0xFFFF  }
0x13e: {  	_ =	shalt  }

</sc_bundles>
